<compile_context>
chip_gen: v7x
topology: tpu7x:2x2x1
jax: 0.10.2.dev20260603
libtpu: 0.0.44.dev20260713+nightly
codegen_flags: <defaults>
</compile_context>

<pallas_src>
import jax
import jax.numpy as jnp
from jax import lax
from jax.experimental import pallas as pl
from jax.experimental.pallas import tpu as pltpu
from jax.experimental.pallas import tpu_sc as plsc

N = 10000
E = 320000
D = 128
DE = 16

K = 64
NUM_CHUNKS = E // K
NUM_WORKERS = 32
CHUNKS_PER_WORKER = -(-NUM_CHUNKS // NUM_WORKERS)
NPAD = 10112
ROWS_PER_TILE = NPAD // 16


def _proj_body(x_ref, w1_ref, w2_ref, wn1_ref, be_ref, bn_ref,
               a_ref, b_ref, xn_ref):
    xv = x_ref[...]
    a_ref[...] = jnp.dot(xv, w1_ref[...])
    b_ref[...] = jnp.dot(xv, w2_ref[...]) + be_ref[...]
    xn_ref[...] = jnp.dot(xv, wn1_ref[...]) + bn_ref[...]


def _edge_proj_body(ea_ref, w3_ref, c_ref):
    c_ref[...] = jnp.dot(ea_ref[...], w3_ref[...])


def _final_body(xn_ref, p0_ref, p1_ref, wn2_ref, o_ref):
    p = p0_ref[...] + p1_ref[...]
    acc = xn_ref[...] + jnp.dot(p, wn2_ref[...])
    o_ref[...] = jnp.maximum(acc, 0.0)


def _node_projections(x, w1, w2, wn1, be, bn):
    blk = 1000
    grid = N // blk
    full = lambda i: (0, 0)
    return pl.pallas_call(
        _proj_body,
        grid=(grid,),
        in_specs=[
            pl.BlockSpec((blk, D), lambda i: (i, 0)),
            pl.BlockSpec((D, D), full),
            pl.BlockSpec((D, D), full),
            pl.BlockSpec((D, D), full),
            pl.BlockSpec((1, D), full),
            pl.BlockSpec((1, D), full),
        ],
        out_specs=[
            pl.BlockSpec((blk, D), lambda i: (i, 0)),
            pl.BlockSpec((blk, D), lambda i: (i, 0)),
            pl.BlockSpec((blk, D), lambda i: (i, 0)),
        ],
        out_shape=[jax.ShapeDtypeStruct((N, D), jnp.float32)] * 3,
    )(x, w1, w2, wn1, be, bn)


def _edge_projection(edge_attr, w3):
    blk = 4000
    grid = E // blk
    return pl.pallas_call(
        _edge_proj_body,
        grid=(grid,),
        in_specs=[
            pl.BlockSpec((blk, DE), lambda i: (i, 0)),
            pl.BlockSpec((DE, D), lambda i: (0, 0)),
        ],
        out_specs=pl.BlockSpec((blk, D), lambda i: (i, 0)),
        out_shape=jax.ShapeDtypeStruct((E, D), jnp.float32),
    )(edge_attr, w3)


def _final_update(xn, p0, p1, wn2):
    blk = 1000
    grid = N // blk
    return pl.pallas_call(
        _final_body,
        grid=(grid,),
        in_specs=[
            pl.BlockSpec((blk, D), lambda i: (i, 0)),
            pl.BlockSpec((blk, D), lambda i: (i, 0)),
            pl.BlockSpec((blk, D), lambda i: (i, 0)),
            pl.BlockSpec((D, D), lambda i: (0, 0)),
        ],
        out_specs=pl.BlockSpec((blk, D), lambda i: (i, 0)),
        out_shape=jax.ShapeDtypeStruct((N, D), jnp.float32),
    )(xn, p0, p1, wn2)


def _sc_body(a_hbm, b_hbm, c_hbm, sd_hbm, out_hbm,
             sd_v, a_v, b_v, c_v, sem_a, sem_b, sem_c, sem_s, pooled_sh):
    cid = lax.axis_index("c")
    sid = lax.axis_index("s")
    wid = sid * 2 + cid

    @pl.loop(0, K)
    def _(r):
        for g in range(D // 16):
            c_v[0][r, pl.ds(g * 16, 16)] = jnp.zeros((16,), jnp.float32)

    base_rows = sid * ROWS_PER_TILE
    for j in range(ROWS_PER_TILE // K):
        pltpu.sync_copy(c_v[0], pooled_sh.at[pl.ds(base_rows + j * K, K)])
    rem = ROWS_PER_TILE % K
    if rem:
        pltpu.sync_copy(c_v[0].at[pl.ds(0, rem)],
                        pooled_sh.at[pl.ds(base_rows + (ROWS_PER_TILE // K) * K, rem)])
    plsc.subcore_barrier()

    def issue(p, k):

        @pl.when(k < NUM_CHUNKS)
        def _():
            @pl.when(k >= 2 * NUM_WORKERS)
            def _():
                pltpu.make_async_copy(
                    c_v[p], pooled_sh.at[sd_v[p].at[1]], sem_s[p]).wait()

            pltpu.sync_copy(sd_hbm.at[k], sd_v[p])
            pltpu.async_copy(a_hbm.at[sd_v[p].at[0]], a_v[p], sem_a[p])
            pltpu.async_copy(b_hbm.at[sd_v[p].at[1]], b_v[p], sem_b[p])
            pltpu.async_copy(c_hbm.at[pl.ds(k * K, K)], c_v[p], sem_c[p])

    def process(p, k):

        @pl.when(k < NUM_CHUNKS)
        def _():
            pltpu.make_async_copy(a_hbm.at[sd_v[p].at[0]], a_v[p], sem_a[p]).wait()
            pltpu.make_async_copy(b_hbm.at[sd_v[p].at[1]], b_v[p], sem_b[p]).wait()
            pltpu.make_async_copy(c_hbm.at[pl.ds(k * K, K)], c_v[p], sem_c[p]).wait()

            @pl.loop(0, K)
            def _(r):
                for g in range(D // 16):
                    sl = pl.ds(g * 16, 16)
                    v = a_v[p][r, sl] + b_v[p][r, sl] + c_v[p][r, sl]
                    c_v[p][r, sl] = jnp.maximum(v, 0.0)

            pltpu.async_copy(c_v[p], pooled_sh.at[sd_v[p].at[1]], sem_s[p],
                             add=True)

    issue(0, wid)

    @pl.loop(0, CHUNKS_PER_WORKER // 2)
    def _(i):
        k0 = wid + (2 * i) * NUM_WORKERS
        issue(1, k0 + NUM_WORKERS)
        process(0, k0)
        issue(0, k0 + 2 * NUM_WORKERS)
        process(1, k0 + NUM_WORKERS)

    if CHUNKS_PER_WORKER % 2:
        process(0, wid + (CHUNKS_PER_WORKER - 1) * NUM_WORKERS)

    pltpu.make_async_copy(c_v[0], pooled_sh.at[sd_v[0].at[1]], sem_s[0]).wait()
    pltpu.make_async_copy(c_v[1], pooled_sh.at[sd_v[1].at[1]], sem_s[1]).wait()

    plsc.subcore_barrier()
    rows = pl.ds(sid * ROWS_PER_TILE, ROWS_PER_TILE)
    pltpu.sync_copy(pooled_sh.at[rows], out_hbm.at[cid, rows])


def _sc_pool(a, b, c, sd):
    mesh = plsc.VectorSubcoreMesh(core_axis_name="c", subcore_axis_name="s")
    run = pl.kernel(
        _sc_body,
        out_type=jax.ShapeDtypeStruct((2, NPAD, D), jnp.float32),
        mesh=mesh,
        scratch_types=[
            (pltpu.VMEM((2, K), jnp.int32),) * 2,
            (pltpu.VMEM((K, D), jnp.float32),) * 2,
            (pltpu.VMEM((K, D), jnp.float32),) * 2,
            (pltpu.VMEM((K, D), jnp.float32),) * 2,
            (pltpu.SemaphoreType.DMA,) * 2,
            (pltpu.SemaphoreType.DMA,) * 2,
            (pltpu.SemaphoreType.DMA,) * 2,
            (pltpu.SemaphoreType.DMA,) * 2,
            pltpu.VMEM_SHARED((NPAD, D), jnp.float32),
        ],
    )
    return run(a, b, c, sd)


def kernel(x, edge_index, edge_attr, W_edge, b_edge, W_node, b_node):
    w1 = W_edge[:D]
    w2 = W_edge[D:2 * D]
    w3 = W_edge[2 * D:]
    wn1 = W_node[:D]
    wn2 = W_node[D:]
    be = b_edge.reshape(1, D)
    bn = b_node.reshape(1, D)
    sd = edge_index.reshape(2, NUM_CHUNKS, K).transpose(1, 0, 2)

    a, b, xn = _node_projections(x, w1, w2, wn1, be, bn)
    c = _edge_projection(edge_attr, w3)
    pooled = _sc_pool(a, b, c, sd)
    return _final_update(xn, pooled[0, :N], pooled[1, :N], wn2)

# --- scband reference (transcript-rebuilt; emitter-appended) ---
"""Pipeline reference for scband-graph-update-21638045237743 (READ-ONLY COPY).

The authoritative reference and input builder live on the scoring server;
editing this copy changes nothing except your own understanding.
"""

import jax, jax.numpy as jnp
import numpy as np

N = 10000
E = 320000
D = 128
DE = 16


def setup_inputs(seed: int = 0) -> dict:
    key = jax.random.key(seed)
    k1, k2, k3, k4, k5, k6, k7 = jax.random.split(key, 7)
    x = jax.random.normal(k1, (N, D), dtype=jnp.float32)
    edge_index = jax.random.randint(k2, (2, E), 0, N, dtype=jnp.int32)
    edge_attr = jax.random.normal(k3, (E, DE), dtype=jnp.float32)
    # Learned parameters for the edge-set update and node-set update MLPs
    W_edge = jax.random.normal(k4, (2 * D + DE, D), dtype=jnp.float32) * 0.02
    b_edge = jnp.zeros((D,), dtype=jnp.float32)
    W_node = jax.random.normal(k5, (D + D, D), dtype=jnp.float32) * 0.02
    b_node = jnp.zeros((D,), dtype=jnp.float32)
    return {
        "x": x,
        "edge_index": edge_index,
        "edge_attr": edge_attr,
        "W_edge": W_edge,
        "b_edge": b_edge,
        "W_node": W_node,
        "b_node": b_node,
    }


def reference(x, edge_index, edge_attr, W_edge, b_edge, W_node, b_node):
    """Faithful GraphUpdate step: EdgeSetUpdate followed by NodeSetUpdate.

    EdgeSetUpdate (default input_fns): Broadcast(SOURCE), Broadcast(TARGET),
    Readout() of edge recurrent state, combined by concatenate, then a
    next-state dense layer.
    NodeSetUpdate (default input_fns): Readout() of node recurrent state and
    Pool(TARGET, 'sum') of the just-updated edge states (ON_UPDATE), combined
    by concatenate, then a next-state dense layer.
    """
    src = edge_index[0]
    dst = edge_index[1]
    # Broadcast node states to edges (gather) + edge recurrent state readout
    x_src = jnp.take(x, src, axis=0)
    x_dst = jnp.take(x, dst, axis=0)
    edge_inputs = jnp.concatenate([x_src, x_dst, edge_attr], axis=-1)
    new_edge_state = jax.nn.relu(edge_inputs @ W_edge + b_edge)
    # Pool updated edge states to target nodes (scatter-add / segment_sum)
    pooled = jax.ops.segment_sum(new_edge_state, dst, num_segments=N)
    node_inputs = jnp.concatenate([x, pooled], axis=-1)
    new_node_state = jax.nn.relu(node_inputs @ W_node + b_node)
    return new_node_state

if __name__ == "__main__":
    import jax
    _d = setup_inputs()
    print(jax.jit(kernel)(*tuple(_d.values())))

</pallas_src>

<mosaic_0001>
#map = affine_map<(d0, d1) -> (0, 0)>
#map1 = affine_map<(d0, d1) -> (0, 0, 0)>
module attributes {stable_mosaic.version = 14 : i64} {
  func.func @_sc_body(%arg0: i32, %arg1: i32, %arg2: memref<10000x128xf32, #tpu.memory_space<hbm>>, %arg3: memref<10000x128xf32, #tpu.memory_space<hbm>>, %arg4: memref<320000x128xf32, #tpu.memory_space<hbm>>, %arg5: memref<5000x2x64xi32, #tpu.memory_space<hbm>>, %arg6: memref<2x10112x128xf32, #tpu.memory_space<hbm>>, %arg7: memref<2x64xi32, #tpu.memory_space<vmem>>, %arg8: memref<2x64xi32, #tpu.memory_space<vmem>>, %arg9: memref<64x128xf32, #tpu.memory_space<vmem>>, %arg10: memref<64x128xf32, #tpu.memory_space<vmem>>, %arg11: memref<64x128xf32, #tpu.memory_space<vmem>>, %arg12: memref<64x128xf32, #tpu.memory_space<vmem>>, %arg13: memref<64x128xf32, #tpu.memory_space<vmem>>, %arg14: memref<64x128xf32, #tpu.memory_space<vmem>>, %arg15: memref<!tpu.dma_semaphore, #tpu.memory_space<semaphore_mem>>, %arg16: memref<!tpu.dma_semaphore, #tpu.memory_space<semaphore_mem>>, %arg17: memref<!tpu.dma_semaphore, #tpu.memory_space<semaphore_mem>>, %arg18: memref<!tpu.dma_semaphore, #tpu.memory_space<semaphore_mem>>, %arg19: memref<!tpu.dma_semaphore, #tpu.memory_space<semaphore_mem>>, %arg20: memref<!tpu.dma_semaphore, #tpu.memory_space<semaphore_mem>>, %arg21: memref<!tpu.dma_semaphore, #tpu.memory_space<semaphore_mem>>, %arg22: memref<!tpu.dma_semaphore, #tpu.memory_space<semaphore_mem>>, %arg23: memref<10112x128xf32, #tpu.memory_space<vmem_shared>>) attributes {dimension_semantics = [#tpu.dimension_semantics<core_parallel>, #tpu.dimension_semantics<subcore_parallel>], iteration_bounds = array<i64: 2, 16>, scalar_prefetch = 0 : i64, scratch_operands = 17 : i64, tpu.core_type = #tpu.core_type<sc_vector_subcore>, window_params = [{transform_indices = #map}, {transform_indices = #map}, {transform_indices = #map}, {transform_indices = #map1}, {transform_indices = #map1}]} {
    %mul3A = arith.constant 2 : i32
    %mul3A_0 = arith.muli %arg1, %mul3A : i32
    %add3A = arith.addi %mul3A_0, %arg0 : i32
    %scan3A = arith.constant 0 : i32
    %scan3A_1 = arith.constant 64 : i32
    %scan3A_2 = arith.addi %scan3A, %scan3A_1 : i32
    %scan3A_3 = arith.constant 1 : i32
    scf.for %scan3A_57 = %scan3A to %scan3A_2 step %scan3A_3  : i32 {
      %mul3A_58 = arith.constant 1 : i32
      %mul3A_59 = arith.muli %scan3A_57, %mul3A_58 : i32
      %add3A_60 = arith.constant 0 : i32
      %add3A_61 = arith.addi %add3A_60, %mul3A_59 : i32
      %broadcast_in_dim3A = arith.constant 0.000000e+00 : f32
      %broadcast_in_dim3A_62 = vector.broadcast %broadcast_in_dim3A : f32 to vector<16xf32>
      %swap3A = arith.index_cast %add3A_61 : i32 to index
      %swap3A_63 = arith.constant 0 : index
      %swap3A_64 = tpu.vector_load %arg13[%swap3A, %swap3A_63] {strides = array<i32>} : memref<64x128xf32, #tpu.memory_space<vmem>>, vector<1x16xf32>,
      %swap3A_65 = vector.shape_cast %swap3A_64 : vector<1x16xf32> to vector<16xf32>
      %swap3A_66 = vector.shape_cast %broadcast_in_dim3A_62 : vector<16xf32> to vector<1x16xf32>
      tpu.vector_store %arg13[%swap3A, %swap3A_63], %swap3A_66 {strides = array<i32>} : memref<64x128xf32, #tpu.memory_space<vmem>>, vector<1x16xf32>,
      %broadcast_in_dim3A_67 = arith.constant 0.000000e+00 : f32
      %broadcast_in_dim3A_68 = vector.broadcast %broadcast_in_dim3A_67 : f32 to vector<16xf32>
      %swap3A_69 = arith.index_cast %add3A_61 : i32 to index
      %swap3A_70 = arith.constant 16 : index
      %swap3A_71 = tpu.vector_load %arg13[%swap3A_69, %swap3A_70] {strides = array<i32>} : memref<64x128xf32, #tpu.memory_space<vmem>>, vector<1x16xf32>,
      %swap3A_72 = vector.shape_cast %swap3A_71 : vector<1x16xf32> to vector<16xf32>
      %swap3A_73 = vector.shape_cast %broadcast_in_dim3A_68 : vector<16xf32> to vector<1x16xf32>
      tpu.vector_store %arg13[%swap3A_69, %swap3A_70], %swap3A_73 {strides = array<i32>} : memref<64x128xf32, #tpu.memory_space<vmem>>, vector<1x16xf32>,
      %broadcast_in_dim3A_74 = arith.constant 0.000000e+00 : f32
      %broadcast_in_dim3A_75 = vector.broadcast %broadcast_in_dim3A_74 : f32 to vector<16xf32>
      %swap3A_76 = arith.index_cast %add3A_61 : i32 to index
      %swap3A_77 = arith.constant 32 : index
      %swap3A_78 = tpu.vector_load %arg13[%swap3A_76, %swap3A_77] {strides = array<i32>} : memref<64x128xf32, #tpu.memory_space<vmem>>, vector<1x16xf32>,
      %swap3A_79 = vector.shape_cast %swap3A_78 : vector<1x16xf32> to vector<16xf32>
      %swap3A_80 = vector.shape_cast %broadcast_in_dim3A_75 : vector<16xf32> to vector<1x16xf32>
      tpu.vector_store %arg13[%swap3A_76, %swap3A_77], %swap3A_80 {strides = array<i32>} : memref<64x128xf32, #tpu.memory_space<vmem>>, vector<1x16xf32>,
      %broadcast_in_dim3A_81 = arith.constant 0.000000e+00 : f32
      %broadcast_in_dim3A_82 = vector.broadcast %broadcast_in_dim3A_81 : f32 to vector<16xf32>
      %swap3A_83 = arith.index_cast %add3A_61 : i32 to index
      %swap3A_84 = arith.constant 48 : index
      %swap3A_85 = tpu.vector_load %arg13[%swap3A_83, %swap3A_84] {strides = array<i32>} : memref<64x128xf32, #tpu.memory_space<vmem>>, vector<1x16xf32>,
      %swap3A_86 = vector.shape_cast %swap3A_85 : vector<1x16xf32> to vector<16xf32>
      %swap3A_87 = vector.shape_cast %broadcast_in_dim3A_82 : vector<16xf32> to vector<1x16xf32>
      tpu.vector_store %arg13[%swap3A_83, %swap3A_84], %swap3A_87 {strides = array<i32>} : memref<64x128xf32, #tpu.memory_space<vmem>>, vector<1x16xf32>,
      %broadcast_in_dim3A_88 = arith.constant 0.000000e+00 : f32
      %broadcast_in_dim3A_89 = vector.broadcast %broadcast_in_dim3A_88 : f32 to vector<16xf32>
      %swap3A_90 = arith.index_cast %add3A_61 : i32 to index
      %swap3A_91 = arith.constant 64 : index
      %swap3A_92 = tpu.vector_load %arg13[%swap3A_90, %swap3A_91] {strides = array<i32>} : memref<64x128xf32, #tpu.memory_space<vmem>>, vector<1x16xf32>,
      %swap3A_93 = vector.shape_cast %swap3A_92 : vector<1x16xf32> to vector<16xf32>
      %swap3A_94 = vector.shape_cast %broadcast_in_dim3A_89 : vector<16xf32> to vector<1x16xf32>
      tpu.vector_store %arg13[%swap3A_90, %swap3A_91], %swap3A_94 {strides = array<i32>} : memref<64x128xf32, #tpu.memory_space<vmem>>, vector<1x16xf32>,
      %broadcast_in_dim3A_95 = arith.constant 0.000000e+00 : f32
      %broadcast_in_dim3A_96 = vector.broadcast %broadcast_in_dim3A_95 : f32 to vector<16xf32>
      %swap3A_97 = arith.index_cast %add3A_61 : i32 to index
      %swap3A_98 = arith.constant 80 : index
      %swap3A_99 = tpu.vector_load %arg13[%swap3A_97, %swap3A_98] {strides = array<i32>} : memref<64x128xf32, #tpu.memory_space<vmem>>, vector<1x16xf32>,
      %swap3A_100 = vector.shape_cast %swap3A_99 : vector<1x16xf32> to vector<16xf32>
      %swap3A_101 = vector.shape_cast %broadcast_in_dim3A_96 : vector<16xf32> to vector<1x16xf32>
      tpu.vector_store %arg13[%swap3A_97, %swap3A_98], %swap3A_101 {strides = array<i32>} : memref<64x128xf32, #tpu.memory_space<vmem>>, vector<1x16xf32>,
      %broadcast_in_dim3A_102 = arith.constant 0.000000e+00 : f32
      %broadcast_in_dim3A_103 = vector.broadcast %broadcast_in_dim3A_102 : f32 to vector<16xf32>
      %swap3A_104 = arith.index_cast %add3A_61 : i32 to index
      %swap3A_105 = arith.constant 96 : index
      %swap3A_106 = tpu.vector_load %arg13[%swap3A_104, %swap3A_105] {strides = array<i32>} : memref<64x128xf32, #tpu.memory_space<vmem>>, vector<1x16xf32>,
      %swap3A_107 = vector.shape_cast %swap3A_106 : vector<1x16xf32> to vector<16xf32>
      %swap3A_108 = vector.shape_cast %broadcast_in_dim3A_103 : vector<16xf32> to vector<1x16xf32>
      tpu.vector_store %arg13[%swap3A_104, %swap3A_105], %swap3A_108 {strides = array<i32>} : memref<64x128xf32, #tpu.memory_space<vmem>>, vector<1x16xf32>,
      %broadcast_in_dim3A_109 = arith.constant 0.000000e+00 : f32
      %broadcast_in_dim3A_110 = vector.broadcast %broadcast_in_dim3A_109 : f32 to vector<16xf32>
      %swap3A_111 = arith.index_cast %add3A_61 : i32 to index
      %swap3A_112 = arith.constant 112 : index
      %swap3A_113 = tpu.vector_load %arg13[%swap3A_111, %swap3A_112] {strides = array<i32>} : memref<64x128xf32, #tpu.memory_space<vmem>>, vector<1x16xf32>,
      %swap3A_114 = vector.shape_cast %swap3A_113 : vector<1x16xf32> to vector<16xf32>
      %swap3A_115 = vector.shape_cast %broadcast_in_dim3A_110 : vector<16xf32> to vector<1x16xf32>
      tpu.vector_store %arg13[%swap3A_111, %swap3A_112], %swap3A_115 {strides = array<i32>} : memref<64x128xf32, #tpu.memory_space<vmem>>, vector<1x16xf32>,
    }
    %scan3A_4 = arith.constant 64 : i32
    %mul3A_5 = arith.constant 632 : i32
    %mul3A_6 = arith.muli %arg1, %mul3A_5 : i32
    %add3A_7 = arith.constant 0 : i32
    %add3A_8 = arith.addi %mul3A_6, %add3A_7 : i32
    "tpu.region"() ({
      %run_scoped3A = tpu.sem_alloc : memref<!tpu.dma_semaphore, #tpu.memory_space<semaphore_mem>>
      %dma_start3A = arith.constant 0 : i32
      %dma_start3A_57 = tpu.memref_slice %arg23[%add3A_8, %dma_start3A] : memref<10112x128xf32, #tpu.memory_space<vmem_shared>> -> memref<64x128xf32, #tpu.memory_space<vmem_shared>>
      %dma_start3A_58 = arith.constant 0 : i32
      %dma_start3A_59 = tpu.memref_slice %arg23[%add3A_8, %dma_start3A_58] : memref<10112x128xf32, #tpu.memory_space<vmem_shared>> -> memref<64x128xf32, #tpu.memory_space<vmem_shared>>
      tpu.enqueue_dma source(%arg13 : memref<64x128xf32, #tpu.memory_space<vmem>>) target(%dma_start3A_59 : memref<64x128xf32, #tpu.memory_space<vmem_shared>>) target_semaphore(%run_scoped3A : memref<!tpu.dma_semaphore, #tpu.memory_space<semaphore_mem>>)
      %dma_wait3A_60 = arith.constant 0 : i32
      %dma_wait3A_61 = tpu.memref_slice %arg23[%add3A_8, %dma_wait3A_60] : memref<10112x128xf32, #tpu.memory_space<vmem_shared>> -> memref<64x128xf32, #tpu.memory_space<vmem_shared>>
      %dma_wait3A_62 = arith.constant 0 : i32
      %dma_wait3A_63 = tpu.memref_slice %arg23[%add3A_8, %dma_wait3A_62] : memref<10112x128xf32, #tpu.memory_space<vmem_shared>> -> memref<64x128xf32, #tpu.memory_space<vmem_shared>>
      tpu.wait_dma2 semaphore(%run_scoped3A : memref<!tpu.dma_semaphore, #tpu.memory_space<semaphore_mem>>) src(%arg13 : memref<64x128xf32, #tpu.memory_space<vmem>>) dst(%dma_wait3A_63 : memref<64x128xf32, #tpu.memory_space<vmem_shared>>)
      tpu.yield
    }) : () -> ()
    %add3A_9 = arith.constant 64 : i32
    %add3A_10 = arith.addi %mul3A_6, %add3A_9 : i32
    "tpu.region"() ({
      %run_scoped3A = tpu.sem_alloc : memref<!tpu.dma_semaphore, #tpu.memory_space<semaphore_mem>>
      %dma_start3A = arith.constant 0 : i32
      %dma_start3A_57 = tpu.memref_slice %arg23[%add3A_10, %dma_start3A] : memref<10112x128xf32, #tpu.memory_space<vmem_shared>> -> memref<64x128xf32, #tpu.memory_space<vmem_shared>>
      %dma_start3A_58 = arith.constant 0 : i32
      %dma_start3A_59 = tpu.memref_slice %arg23[%add3A_10, %dma_start3A_58] : memref<10112x128xf32, #tpu.memory_space<vmem_shared>> -> memref<64x128xf32, #tpu.memory_space<vmem_shared>>
      tpu.enqueue_dma source(%arg13 : memref<64x128xf32, #tpu.memory_space<vmem>>) target(%dma_start3A_59 : memref<64x128xf32, #tpu.memory_space<vmem_shared>>) target_semaphore(%run_scoped3A : memref<!tpu.dma_semaphore, #tpu.memory_space<semaphore_mem>>)
      %dma_wait3A_60 = arith.constant 0 : i32
      %dma_wait3A_61 = tpu.memref_slice %arg23[%add3A_10, %dma_wait3A_60] : memref<10112x128xf32, #tpu.memory_space<vmem_shared>> -> memref<64x128xf32, #tpu.memory_space<vmem_shared>>
      %dma_wait3A_62 = arith.constant 0 : i32
      %dma_wait3A_63 = tpu.memref_slice %arg23[%add3A_10, %dma_wait3A_62] : memref<10112x128xf32, #tpu.memory_space<vmem_shared>> -> memref<64x128xf32, #tpu.memory_space<vmem_shared>>
      tpu.wait_dma2 semaphore(%run_scoped3A : memref<!tpu.dma_semaphore, #tpu.memory_space<semaphore_mem>>) src(%arg13 : memref<64x128xf32, #tpu.memory_space<vmem>>) dst(%dma_wait3A_63 : memref<64x128xf32, #tpu.memory_space<vmem_shared>>)
      tpu.yield
    }) : () -> ()
    %add3A_11 = arith.constant 128 : i32
    %add3A_12 = arith.addi %mul3A_6, %add3A_11 : i32
    "tpu.region"() ({
      %run_scoped3A = tpu.sem_alloc : memref<!tpu.dma_semaphore, #tpu.memory_space<semaphore_mem>>
      %dma_start3A = arith.constant 0 : i32
      %dma_start3A_57 = tpu.memref_slice %arg23[%add3A_12, %dma_start3A] : memref<10112x128xf32, #tpu.memory_space<vmem_shared>> -> memref<64x128xf32, #tpu.memory_space<vmem_shared>>
      %dma_start3A_58 = arith.constant 0 : i32
      %dma_start3A_59 = tpu.memref_slice %arg23[%add3A_12, %dma_start3A_58] : memref<10112x128xf32, #tpu.memory_space<vmem_shared>> -> memref<64x128xf32, #tpu.memory_space<vmem_shared>>
      tpu.enqueue_dma source(%arg13 : memref<64x128xf32, #tpu.memory_space<vmem>>) target(%dma_start3A_59 : memref<64x128xf32, #tpu.memory_space<vmem_shared>>) target_semaphore(%run_scoped3A : memref<!tpu.dma_semaphore, #tpu.memory_space<semaphore_mem>>)
      %dma_wait3A_60 = arith.constant 0 : i32
      %dma_wait3A_61 = tpu.memref_slice %arg23[%add3A_12, %dma_wait3A_60] : memref<10112x128xf32, #tpu.memory_space<vmem_shared>> -> memref<64x128xf32, #tpu.memory_space<vmem_shared>>
      %dma_wait3A_62 = arith.constant 0 : i32
      %dma_wait3A_63 = tpu.memref_slice %arg23[%add3A_12, %dma_wait3A_62] : memref<10112x128xf32, #tpu.memory_space<vmem_shared>> -> memref<64x128xf32, #tpu.memory_space<vmem_shared>>
      tpu.wait_dma2 semaphore(%run_scoped3A : memref<!tpu.dma_semaphore, #tpu.memory_space<semaphore_mem>>) src(%arg13 : memref<64x128xf32, #tpu.memory_space<vmem>>) dst(%dma_wait3A_63 : memref<64x128xf32, #tpu.memory_space<vmem_shared>>)
      tpu.yield
    }) : () -> ()
    %add3A_13 = arith.constant 192 : i32
    %add3A_14 = arith.addi %mul3A_6, %add3A_13 : i32
    "tpu.region"() ({
      %run_scoped3A = tpu.sem_alloc : memref<!tpu.dma_semaphore, #tpu.memory_space<semaphore_mem>>
      %dma_start3A = arith.constant 0 : i32
      %dma_start3A_57 = tpu.memref_slice %arg23[%add3A_14, %dma_start3A] : memref<10112x128xf32, #tpu.memory_space<vmem_shared>> -> memref<64x128xf32, #tpu.memory_space<vmem_shared>>
      %dma_start3A_58 = arith.constant 0 : i32
      %dma_start3A_59 = tpu.memref_slice %arg23[%add3A_14, %dma_start3A_58] : memref<10112x128xf32, #tpu.memory_space<vmem_shared>> -> memref<64x128xf32, #tpu.memory_space<vmem_shared>>
      tpu.enqueue_dma source(%arg13 : memref<64x128xf32, #tpu.memory_space<vmem>>) target(%dma_start3A_59 : memref<64x128xf32, #tpu.memory_space<vmem_shared>>) target_semaphore(%run_scoped3A : memref<!tpu.dma_semaphore, #tpu.memory_space<semaphore_mem>>)
      %dma_wait3A_60 = arith.constant 0 : i32
      %dma_wait3A_61 = tpu.memref_slice %arg23[%add3A_14, %dma_wait3A_60] : memref<10112x128xf32, #tpu.memory_space<vmem_shared>> -> memref<64x128xf32, #tpu.memory_space<vmem_shared>>
      %dma_wait3A_62 = arith.constant 0 : i32
      %dma_wait3A_63 = tpu.memref_slice %arg23[%add3A_14, %dma_wait3A_62] : memref<10112x128xf32, #tpu.memory_space<vmem_shared>> -> memref<64x128xf32, #tpu.memory_space<vmem_shared>>
      tpu.wait_dma2 semaphore(%run_scoped3A : memref<!tpu.dma_semaphore, #tpu.memory_space<semaphore_mem>>) src(%arg13 : memref<64x128xf32, #tpu.memory_space<vmem>>) dst(%dma_wait3A_63 : memref<64x128xf32, #tpu.memory_space<vmem_shared>>)
      tpu.yield
    }) : () -> ()
    %add3A_15 = arith.constant 256 : i32
    %add3A_16 = arith.addi %mul3A_6, %add3A_15 : i32
    "tpu.region"() ({
      %run_scoped3A = tpu.sem_alloc : memref<!tpu.dma_semaphore, #tpu.memory_space<semaphore_mem>>
      %dma_start3A = arith.constant 0 : i32
      %dma_start3A_57 = tpu.memref_slice %arg23[%add3A_16, %dma_start3A] : memref<10112x128xf32, #tpu.memory_space<vmem_shared>> -> memref<64x128xf32, #tpu.memory_space<vmem_shared>>
      %dma_start3A_58 = arith.constant 0 : i32
      %dma_start3A_59 = tpu.memref_slice %arg23[%add3A_16, %dma_start3A_58] : memref<10112x128xf32, #tpu.memory_space<vmem_shared>> -> memref<64x128xf32, #tpu.memory_space<vmem_shared>>
      tpu.enqueue_dma source(%arg13 : memref<64x128xf32, #tpu.memory_space<vmem>>) target(%dma_start3A_59 : memref<64x128xf32, #tpu.memory_space<vmem_shared>>) target_semaphore(%run_scoped3A : memref<!tpu.dma_semaphore, #tpu.memory_space<semaphore_mem>>)
      %dma_wait3A_60 = arith.constant 0 : i32
      %dma_wait3A_61 = tpu.memref_slice %arg23[%add3A_16, %dma_wait3A_60] : memref<10112x128xf32, #tpu.memory_space<vmem_shared>> -> memref<64x128xf32, #tpu.memory_space<vmem_shared>>
      %dma_wait3A_62 = arith.constant 0 : i32
      %dma_wait3A_63 = tpu.memref_slice %arg23[%add3A_16, %dma_wait3A_62] : memref<10112x128xf32, #tpu.memory_space<vmem_shared>> -> memref<64x128xf32, #tpu.memory_space<vmem_shared>>
      tpu.wait_dma2 semaphore(%run_scoped3A : memref<!tpu.dma_semaphore, #tpu.memory_space<semaphore_mem>>) src(%arg13 : memref<64x128xf32, #tpu.memory_space<vmem>>) dst(%dma_wait3A_63 : memref<64x128xf32, #tpu.memory_space<vmem_shared>>)
      tpu.yield
    }) : () -> ()
    %add3A_17 = arith.constant 320 : i32
    %add3A_18 = arith.addi %mul3A_6, %add3A_17 : i32
    "tpu.region"() ({
      %run_scoped3A = tpu.sem_alloc : memref<!tpu.dma_semaphore, #tpu.memory_space<semaphore_mem>>
      %dma_start3A = arith.constant 0 : i32
      %dma_start3A_57 = tpu.memref_slice %arg23[%add3A_18, %dma_start3A] : memref<10112x128xf32, #tpu.memory_space<vmem_shared>> -> memref<64x128xf32, #tpu.memory_space<vmem_shared>>
      %dma_start3A_58 = arith.constant 0 : i32
      %dma_start3A_59 = tpu.memref_slice %arg23[%add3A_18, %dma_start3A_58] : memref<10112x128xf32, #tpu.memory_space<vmem_shared>> -> memref<64x128xf32, #tpu.memory_space<vmem_shared>>
      tpu.enqueue_dma source(%arg13 : memref<64x128xf32, #tpu.memory_space<vmem>>) target(%dma_start3A_59 : memref<64x128xf32, #tpu.memory_space<vmem_shared>>) target_semaphore(%run_scoped3A : memref<!tpu.dma_semaphore, #tpu.memory_space<semaphore_mem>>)
      %dma_wait3A_60 = arith.constant 0 : i32
      %dma_wait3A_61 = tpu.memref_slice %arg23[%add3A_18, %dma_wait3A_60] : memref<10112x128xf32, #tpu.memory_space<vmem_shared>> -> memref<64x128xf32, #tpu.memory_space<vmem_shared>>
      %dma_wait3A_62 = arith.constant 0 : i32
      %dma_wait3A_63 = tpu.memref_slice %arg23[%add3A_18, %dma_wait3A_62] : memref<10112x128xf32, #tpu.memory_space<vmem_shared>> -> memref<64x128xf32, #tpu.memory_space<vmem_shared>>
      tpu.wait_dma2 semaphore(%run_scoped3A : memref<!tpu.dma_semaphore, #tpu.memory_space<semaphore_mem>>) src(%arg13 : memref<64x128xf32, #tpu.memory_space<vmem>>) dst(%dma_wait3A_63 : memref<64x128xf32, #tpu.memory_space<vmem_shared>>)
      tpu.yield
    }) : () -> ()
    %add3A_19 = arith.constant 384 : i32
    %add3A_20 = arith.addi %mul3A_6, %add3A_19 : i32
    "tpu.region"() ({
      %run_scoped3A = tpu.sem_alloc : memref<!tpu.dma_semaphore, #tpu.memory_space<semaphore_mem>>
      %dma_start3A = arith.constant 0 : i32
      %dma_start3A_57 = tpu.memref_slice %arg23[%add3A_20, %dma_start3A] : memref<10112x128xf32, #tpu.memory_space<vmem_shared>> -> memref<64x128xf32, #tpu.memory_space<vmem_shared>>
      %dma_start3A_58 = arith.constant 0 : i32
      %dma_start3A_59 = tpu.memref_slice %arg23[%add3A_20, %dma_start3A_58] : memref<10112x128xf32, #tpu.memory_space<vmem_shared>> -> memref<64x128xf32, #tpu.memory_space<vmem_shared>>
      tpu.enqueue_dma source(%arg13 : memref<64x128xf32, #tpu.memory_space<vmem>>) target(%dma_start3A_59 : memref<64x128xf32, #tpu.memory_space<vmem_shared>>) target_semaphore(%run_scoped3A : memref<!tpu.dma_semaphore, #tpu.memory_space<semaphore_mem>>)
      %dma_wait3A_60 = arith.constant 0 : i32
      %dma_wait3A_61 = tpu.memref_slice %arg23[%add3A_20, %dma_wait3A_60] : memref<10112x128xf32, #tpu.memory_space<vmem_shared>> -> memref<64x128xf32, #tpu.memory_space<vmem_shared>>
      %dma_wait3A_62 = arith.constant 0 : i32
      %dma_wait3A_63 = tpu.memref_slice %arg23[%add3A_20, %dma_wait3A_62] : memref<10112x128xf32, #tpu.memory_space<vmem_shared>> -> memref<64x128xf32, #tpu.memory_space<vmem_shared>>
      tpu.wait_dma2 semaphore(%run_scoped3A : memref<!tpu.dma_semaphore, #tpu.memory_space<semaphore_mem>>) src(%arg13 : memref<64x128xf32, #tpu.memory_space<vmem>>) dst(%dma_wait3A_63 : memref<64x128xf32, #tpu.memory_space<vmem_shared>>)
      tpu.yield
    }) : () -> ()
    %add3A_21 = arith.constant 448 : i32
    %add3A_22 = arith.addi %mul3A_6, %add3A_21 : i32
    "tpu.region"() ({
      %run_scoped3A = tpu.sem_alloc : memref<!tpu.dma_semaphore, #tpu.memory_space<semaphore_mem>>
      %dma_start3A = arith.constant 0 : i32
      %dma_start3A_57 = tpu.memref_slice %arg23[%add3A_22, %dma_start3A] : memref<10112x128xf32, #tpu.memory_space<vmem_shared>> -> memref<64x128xf32, #tpu.memory_space<vmem_shared>>
      %dma_start3A_58 = arith.constant 0 : i32
      %dma_start3A_59 = tpu.memref_slice %arg23[%add3A_22, %dma_start3A_58] : memref<10112x128xf32, #tpu.memory_space<vmem_shared>> -> memref<64x128xf32, #tpu.memory_space<vmem_shared>>
      tpu.enqueue_dma source(%arg13 : memref<64x128xf32, #tpu.memory_space<vmem>>) target(%dma_start3A_59 : memref<64x128xf32, #tpu.memory_space<vmem_shared>>) target_semaphore(%run_scoped3A : memref<!tpu.dma_semaphore, #tpu.memory_space<semaphore_mem>>)
      %dma_wait3A_60 = arith.constant 0 : i32
      %dma_wait3A_61 = tpu.memref_slice %arg23[%add3A_22, %dma_wait3A_60] : memref<10112x128xf32, #tpu.memory_space<vmem_shared>> -> memref<64x128xf32, #tpu.memory_space<vmem_shared>>
      %dma_wait3A_62 = arith.constant 0 : i32
      %dma_wait3A_63 = tpu.memref_slice %arg23[%add3A_22, %dma_wait3A_62] : memref<10112x128xf32, #tpu.memory_space<vmem_shared>> -> memref<64x128xf32, #tpu.memory_space<vmem_shared>>
      tpu.wait_dma2 semaphore(%run_scoped3A : memref<!tpu.dma_semaphore, #tpu.memory_space<semaphore_mem>>) src(%arg13 : memref<64x128xf32, #tpu.memory_space<vmem>>) dst(%dma_wait3A_63 : memref<64x128xf32, #tpu.memory_space<vmem_shared>>)
      tpu.yield
    }) : () -> ()
    %add3A_23 = arith.constant 512 : i32
    %add3A_24 = arith.addi %mul3A_6, %add3A_23 : i32
    "tpu.region"() ({
      %run_scoped3A = tpu.sem_alloc : memref<!tpu.dma_semaphore, #tpu.memory_space<semaphore_mem>>
      %dma_start3A = arith.constant 0 : i32
      %dma_start3A_57 = tpu.memref_slice %arg23[%add3A_24, %dma_start3A] : memref<10112x128xf32, #tpu.memory_space<vmem_shared>> -> memref<64x128xf32, #tpu.memory_space<vmem_shared>>
      %dma_start3A_58 = arith.constant 0 : i32
      %dma_start3A_59 = tpu.memref_slice %arg23[%add3A_24, %dma_start3A_58] : memref<10112x128xf32, #tpu.memory_space<vmem_shared>> -> memref<64x128xf32, #tpu.memory_space<vmem_shared>>
      tpu.enqueue_dma source(%arg13 : memref<64x128xf32, #tpu.memory_space<vmem>>) target(%dma_start3A_59 : memref<64x128xf32, #tpu.memory_space<vmem_shared>>) target_semaphore(%run_scoped3A : memref<!tpu.dma_semaphore, #tpu.memory_space<semaphore_mem>>)
      %dma_wait3A_60 = arith.constant 0 : i32
      %dma_wait3A_61 = tpu.memref_slice %arg23[%add3A_24, %dma_wait3A_60] : memref<10112x128xf32, #tpu.memory_space<vmem_shared>> -> memref<64x128xf32, #tpu.memory_space<vmem_shared>>
      %dma_wait3A_62 = arith.constant 0 : i32
      %dma_wait3A_63 = tpu.memref_slice %arg23[%add3A_24, %dma_wait3A_62] : memref<10112x128xf32, #tpu.memory_space<vmem_shared>> -> memref<64x128xf32, #tpu.memory_space<vmem_shared>>
      tpu.wait_dma2 semaphore(%run_scoped3A : memref<!tpu.dma_semaphore, #tpu.memory_space<semaphore_mem>>) src(%arg13 : memref<64x128xf32, #tpu.memory_space<vmem>>) dst(%dma_wait3A_63 : memref<64x128xf32, #tpu.memory_space<vmem_shared>>)
      tpu.yield
    }) : () -> ()
    %add3A_25 = arith.constant 576 : i32
    %add3A_26 = arith.addi %mul3A_6, %add3A_25 : i32
    "tpu.region"() ({
      %run_scoped3A = tpu.sem_alloc : memref<!tpu.dma_semaphore, #tpu.memory_space<semaphore_mem>>
      %dma_start3A = arith.constant 0 : i32
      %dma_start3A_57 = arith.constant 0 : i32
      %dma_start3A_58 = tpu.memref_slice %arg13[%dma_start3A, %dma_start3A_57] : memref<64x128xf32, #tpu.memory_space<vmem>> -> memref<56x128xf32, #tpu.memory_space<vmem>>
      %dma_start3A_59 = arith.constant 0 : i32
      %dma_start3A_60 = tpu.memref_slice %arg23[%add3A_26, %dma_start3A_59] : memref<10112x128xf32, #tpu.memory_space<vmem_shared>> -> memref<56x128xf32, #tpu.memory_space<vmem_shared>>
      %dma_start3A_61 = arith.constant 0 : i32
      %dma_start3A_62 = tpu.memref_slice %arg23[%add3A_26, %dma_start3A_61] : memref<10112x128xf32, #tpu.memory_space<vmem_shared>> -> memref<56x128xf32, #tpu.memory_space<vmem_shared>>
      %dma_start3A_63 = arith.constant 0 : i32
      %dma_start3A_64 = arith.constant 0 : i32
      %dma_start3A_65 = tpu.memref_slice %arg13[%dma_start3A_63, %dma_start3A_64] : memref<64x128xf32, #tpu.memory_space<vmem>> -> memref<56x128xf32, #tpu.memory_space<vmem>>
      tpu.enqueue_dma source(%dma_start3A_65 : memref<56x128xf32, #tpu.memory_space<vmem>>) target(%dma_start3A_62 : memref<56x128xf32, #tpu.memory_space<vmem_shared>>) target_semaphore(%run_scoped3A : memref<!tpu.dma_semaphore, #tpu.memory_space<semaphore_mem>>)
      %dma_wait3A_66 = arith.constant 0 : i32
      %dma_wait3A_67 = arith.constant 0 : i32
      %dma_wait3A_68 = tpu.memref_slice %arg13[%dma_wait3A_66, %dma_wait3A_67] : memref<64x128xf32, #tpu.memory_space<vmem>> -> memref<56x128xf32, #tpu.memory_space<vmem>>
      %dma_wait3A_69 = arith.constant 0 : i32
      %dma_wait3A_70 = tpu.memref_slice %arg23[%add3A_26, %dma_wait3A_69] : memref<10112x128xf32, #tpu.memory_space<vmem_shared>> -> memref<56x128xf32, #tpu.memory_space<vmem_shared>>
      %dma_wait3A_71 = arith.constant 0 : i32
      %dma_wait3A_72 = tpu.memref_slice %arg23[%add3A_26, %dma_wait3A_71] : memref<10112x128xf32, #tpu.memory_space<vmem_shared>> -> memref<56x128xf32, #tpu.memory_space<vmem_shared>>
      %dma_wait3A_73 = arith.constant 0 : i32
      %dma_wait3A_74 = arith.constant 0 : i32
      %dma_wait3A_75 = tpu.memref_slice %arg13[%dma_wait3A_73, %dma_wait3A_74] : memref<64x128xf32, #tpu.memory_space<vmem>> -> memref<56x128xf32, #tpu.memory_space<vmem>>
      tpu.wait_dma2 semaphore(%run_scoped3A : memref<!tpu.dma_semaphore, #tpu.memory_space<semaphore_mem>>) src(%dma_wait3A_75 : memref<56x128xf32, #tpu.memory_space<vmem>>) dst(%dma_wait3A_72 : memref<56x128xf32, #tpu.memory_space<vmem_shared>>)
      tpu.yield
    }) : () -> ()
    %barrier3A = arith.constant 0 : index
    tpu.barrier barrier_id(%barrier3A)
    %lt3A = arith.constant 5000 : i32
    %lt3A_27 = arith.cmpi slt, %add3A, %lt3A : i32
    %convert_element_type3A = arith.extui %lt3A_27 : i1 to i32
    %cond3A = arith.constant 0 : i32
    %cond3A_28 = arith.cmpi ne, %convert_element_type3A, %cond3A : i32
    scf.if %cond3A_28 {
      %ge3A = arith.constant 64 : i32
      %ge3A_57 = arith.cmpi sge, %add3A, %ge3A : i32
      %convert_element_type3A_58 = arith.extui %ge3A_57 : i1 to i32
      %cond3A_59 = arith.constant 0 : i32
      %cond3A_60 = arith.cmpi ne, %convert_element_type3A_58, %cond3A_59 : i32
      scf.if %cond3A_60 {
        %dma_wait3A_80 = arith.constant 1 : i32
        %dma_wait3A_81 = arith.constant 0 : i32
        %dma_wait3A_82 = tpu.memref_slice %arg7[%dma_wait3A_80, %dma_wait3A_81] : memref<2x64xi32, #tpu.memory_space<vmem>> -> memref<1x64xi32, #tpu.memory_space<vmem>>
        %dma_wait3A_83 = tpu.memref_squeeze %dma_wait3A_82 : memref<1x64xi32, #tpu.memory_space<vmem>> -> memref<64xi32, #tpu.memory_space<vmem>>
        %dma_wait3A_84 = arith.constant 0 : i32
        %dma_wait3A_85 = arith.constant 0 : i32
        %dma_wait3A_86 = tpu.memref_slice %arg23[%dma_wait3A_84, %dma_wait3A_85] : memref<10112x128xf32, #tpu.memory_space<vmem_shared>> -> memref<10112x128xf32, #tpu.memory_space<vmem_shared>>
        tpu.wait_indirect_dma semaphore(%arg21 : memref<!tpu.dma_semaphore, #tpu.memory_space<semaphore_mem>>) src(%arg13 : memref<64x128xf32, #tpu.memory_space<vmem>>) dst(%dma_wait3A_86 : memref<10112x128xf32, #tpu.memory_space<vmem_shared>>)
      } else {
      }
      "tpu.region"() ({
        %run_scoped3A = tpu.sem_alloc : memref<!tpu.dma_semaphore, #tpu.memory_space<semaphore_mem>>
        %dma_start3A_80 = arith.constant 0 : i32
        %dma_start3A_81 = arith.constant 0 : i32
        %dma_start3A_82 = tpu.memref_slice %arg5[%add3A, %dma_start3A_80, %dma_start3A_81] : memref<5000x2x64xi32, #tpu.memory_space<hbm>> -> memref<1x2x64xi32, #tpu.memory_space<hbm>>
        %dma_start3A_83 = tpu.memref_squeeze %dma_start3A_82 : memref<1x2x64xi32, #tpu.memory_space<hbm>> -> memref<2x64xi32, #tpu.memory_space<hbm>>
        %dma_start3A_84 = arith.constant 0 : i32
        %dma_start3A_85 = arith.constant 0 : i32
        %dma_start3A_86 = tpu.memref_slice %arg5[%add3A, %dma_start3A_84, %dma_start3A_85] : memref<5000x2x64xi32, #tpu.memory_space<hbm>> -> memref<1x2x64xi32, #tpu.memory_space<hbm>>
        %dma_start3A_87 = tpu.memref_squeeze %dma_start3A_86 : memref<1x2x64xi32, #tpu.memory_space<hbm>> -> memref<2x64xi32, #tpu.memory_space<hbm>>
        tpu.enqueue_dma source(%dma_start3A_87 : memref<2x64xi32, #tpu.memory_space<hbm>>) target(%arg7 : memref<2x64xi32, #tpu.memory_space<vmem>>) target_semaphore(%run_scoped3A : memref<!tpu.dma_semaphore, #tpu.memory_space<semaphore_mem>>)
        %dma_wait3A_88 = arith.constant 0 : i32
        %dma_wait3A_89 = arith.constant 0 : i32
        %dma_wait3A_90 = tpu.memref_slice %arg5[%add3A, %dma_wait3A_88, %dma_wait3A_89] : memref<5000x2x64xi32, #tpu.memory_space<hbm>> -> memref<1x2x64xi32, #tpu.memory_space<hbm>>
        %dma_wait3A_91 = tpu.memref_squeeze %dma_wait3A_90 : memref<1x2x64xi32, #tpu.memory_space<hbm>> -> memref<2x64xi32, #tpu.memory_space<hbm>>
        %dma_wait3A_92 = arith.constant 0 : i32
        %dma_wait3A_93 = arith.constant 0 : i32
        %dma_wait3A_94 = tpu.memref_slice %arg5[%add3A, %dma_wait3A_92, %dma_wait3A_93] : memref<5000x2x64xi32, #tpu.memory_space<hbm>> -> memref<1x2x64xi32, #tpu.memory_space<hbm>>
        %dma_wait3A_95 = tpu.memref_squeeze %dma_wait3A_94 : memref<1x2x64xi32, #tpu.memory_space<hbm>> -> memref<2x64xi32, #tpu.memory_space<hbm>>
        tpu.wait_dma2 semaphore(%run_scoped3A : memref<!tpu.dma_semaphore, #tpu.memory_space<semaphore_mem>>) src(%dma_wait3A_95 : memref<2x64xi32, #tpu.memory_space<hbm>>) dst(%arg7 : memref<2x64xi32, #tpu.memory_space<vmem>>)
        tpu.yield
      }) : () -> ()
      %dma_start3A = arith.constant 0 : i32
      %dma_start3A_61 = arith.constant 0 : i32
      %dma_start3A_62 = tpu.memref_slice %arg7[%dma_start3A, %dma_start3A_61] : memref<2x64xi32, #tpu.memory_space<vmem>> -> memref<1x64xi32, #tpu.memory_space<vmem>>
      %dma_start3A_63 = tpu.memref_squeeze %dma_start3A_62 : memref<1x64xi32, #tpu.memory_space<vmem>> -> memref<64xi32, #tpu.memory_space<vmem>>
      %dma_start3A_64 = arith.constant 0 : i32
      %dma_start3A_65 = arith.constant 0 : i32
      %dma_start3A_66 = tpu.memref_slice %arg2[%dma_start3A_64, %dma_start3A_65] : memref<10000x128xf32, #tpu.memory_space<hbm>> -> memref<10000x128xf32, #tpu.memory_space<hbm>>
      tpu.enqueue_indirect_dma source(%dma_start3A_66 : memref<10000x128xf32, #tpu.memory_space<hbm>>) target(%arg9 : memref<64x128xf32, #tpu.memory_space<vmem>>) offsets(%dma_start3A_63 : memref<64xi32, #tpu.memory_space<vmem>>) semaphore(%arg15 : memref<!tpu.dma_semaphore, #tpu.memory_space<semaphore_mem>>)
      %dma_start3A_67 = arith.constant 1 : i32
      %dma_start3A_68 = arith.constant 0 : i32
      %dma_start3A_69 = tpu.memref_slice %arg7[%dma_start3A_67, %dma_start3A_68] : memref<2x64xi32, #tpu.memory_space<vmem>> -> memref<1x64xi32, #tpu.memory_space<vmem>>
      %dma_start3A_70 = tpu.memref_squeeze %dma_start3A_69 : memref<1x64xi32, #tpu.memory_space<vmem>> -> memref<64xi32, #tpu.memory_space<vmem>>
      %dma_start3A_71 = arith.constant 0 : i32
      %dma_start3A_72 = arith.constant 0 : i32
      %dma_start3A_73 = tpu.memref_slice %arg3[%dma_start3A_71, %dma_start3A_72] : memref<10000x128xf32, #tpu.memory_space<hbm>> -> memref<10000x128xf32, #tpu.memory_space<hbm>>
      tpu.enqueue_indirect_dma source(%dma_start3A_73 : memref<10000x128xf32, #tpu.memory_space<hbm>>) target(%arg11 : memref<64x128xf32, #tpu.memory_space<vmem>>) offsets(%dma_start3A_70 : memref<64xi32, #tpu.memory_space<vmem>>) semaphore(%arg17 : memref<!tpu.dma_semaphore, #tpu.memory_space<semaphore_mem>>)
      %mul3A_74 = arith.constant 64 : i32
      %mul3A_75 = arith.muli %add3A, %mul3A_74 : i32
      %dma_start3A_76 = arith.constant 0 : i32
      %dma_start3A_77 = tpu.memref_slice %arg4[%mul3A_75, %dma_start3A_76] : memref<320000x128xf32, #tpu.memory_space<hbm>> -> memref<64x128xf32, #tpu.memory_space<hbm>>
      %dma_start3A_78 = arith.constant 0 : i32
      %dma_start3A_79 = tpu.memref_slice %arg4[%mul3A_75, %dma_start3A_78] : memref<320000x128xf32, #tpu.memory_space<hbm>> -> memref<64x128xf32, #tpu.memory_space<hbm>>
      tpu.enqueue_dma source(%dma_start3A_79 : memref<64x128xf32, #tpu.memory_space<hbm>>) target(%arg13 : memref<64x128xf32, #tpu.memory_space<vmem>>) target_semaphore(%arg19 : memref<!tpu.dma_semaphore, #tpu.memory_space<semaphore_mem>>)
    } else {
    }
    %scan3A_29 = arith.constant 0 : i32
    %scan3A_30 = arith.constant 78 : i32
    %scan3A_31 = arith.addi %scan3A_29, %scan3A_30 : i32
    %scan3A_32 = arith.constant 1 : i32
    scf.for %scan3A_57 = %scan3A_29 to %scan3A_31 step %scan3A_32  : i32 {
      %mul3A_58 = arith.constant 1 : i32
      %mul3A_59 = arith.muli %scan3A_57, %mul3A_58 : i32
      %add3A_60 = arith.constant 0 : i32
      %add3A_61 = arith.addi %add3A_60, %mul3A_59 : i32
      %mul3A_62 = arith.constant 2 : i32
      %mul3A_63 = arith.muli %mul3A_62, %add3A_61 : i32
      %mul3A_64 = arith.constant 32 : i32
      %mul3A_65 = arith.muli %mul3A_63, %mul3A_64 : i32
      %add3A_66 = arith.addi %add3A, %mul3A_65 : i32
      %add3A_67 = arith.constant 32 : i32
      %add3A_68 = arith.addi %add3A_66, %add3A_67 : i32
      %lt3A_69 = arith.constant 5000 : i32
      %lt3A_70 = arith.cmpi slt, %add3A_68, %lt3A_69 : i32
      %convert_element_type3A_71 = arith.extui %lt3A_70 : i1 to i32
      %cond3A_72 = arith.constant 0 : i32
      %cond3A_73 = arith.cmpi ne, %convert_element_type3A_71, %cond3A_72 : i32
      scf.if %cond3A_73 {
        %ge3A = arith.constant 64 : i32
        %ge3A_93 = arith.cmpi sge, %add3A_68, %ge3A : i32
        %convert_element_type3A_94 = arith.extui %ge3A_93 : i1 to i32
        %cond3A_95 = arith.constant 0 : i32
        %cond3A_96 = arith.cmpi ne, %convert_element_type3A_94, %cond3A_95 : i32
        scf.if %cond3A_96 {
          %dma_wait3A_116 = arith.constant 1 : i32
          %dma_wait3A_117 = arith.constant 0 : i32
          %dma_wait3A_118 = tpu.memref_slice %arg8[%dma_wait3A_116, %dma_wait3A_117] : memref<2x64xi32, #tpu.memory_space<vmem>> -> memref<1x64xi32, #tpu.memory_space<vmem>>
          %dma_wait3A_119 = tpu.memref_squeeze %dma_wait3A_118 : memref<1x64xi32, #tpu.memory_space<vmem>> -> memref<64xi32, #tpu.memory_space<vmem>>
          %dma_wait3A_120 = arith.constant 0 : i32
          %dma_wait3A_121 = arith.constant 0 : i32
          %dma_wait3A_122 = tpu.memref_slice %arg23[%dma_wait3A_120, %dma_wait3A_121] : memref<10112x128xf32, #tpu.memory_space<vmem_shared>> -> memref<10112x128xf32, #tpu.memory_space<vmem_shared>>
          tpu.wait_indirect_dma semaphore(%arg22 : memref<!tpu.dma_semaphore, #tpu.memory_space<semaphore_mem>>) src(%arg14 : memref<64x128xf32, #tpu.memory_space<vmem>>) dst(%dma_wait3A_122 : memref<10112x128xf32, #tpu.memory_space<vmem_shared>>)
        } else {
        }
        "tpu.region"() ({
          %run_scoped3A = tpu.sem_alloc : memref<!tpu.dma_semaphore, #tpu.memory_space<semaphore_mem>>
          %dma_start3A_116 = arith.constant 0 : i32
          %dma_start3A_117 = arith.constant 0 : i32
          %dma_start3A_118 = tpu.memref_slice %arg5[%add3A_68, %dma_start3A_116, %dma_start3A_117] : memref<5000x2x64xi32, #tpu.memory_space<hbm>> -> memref<1x2x64xi32, #tpu.memory_space<hbm>>
          %dma_start3A_119 = tpu.memref_squeeze %dma_start3A_118 : memref<1x2x64xi32, #tpu.memory_space<hbm>> -> memref<2x64xi32, #tpu.memory_space<hbm>>
          %dma_start3A_120 = arith.constant 0 : i32
          %dma_start3A_121 = arith.constant 0 : i32
          %dma_start3A_122 = tpu.memref_slice %arg5[%add3A_68, %dma_start3A_120, %dma_start3A_121] : memref<5000x2x64xi32, #tpu.memory_space<hbm>> -> memref<1x2x64xi32, #tpu.memory_space<hbm>>
          %dma_start3A_123 = tpu.memref_squeeze %dma_start3A_122 : memref<1x2x64xi32, #tpu.memory_space<hbm>> -> memref<2x64xi32, #tpu.memory_space<hbm>>
          tpu.enqueue_dma source(%dma_start3A_123 : memref<2x64xi32, #tpu.memory_space<hbm>>) target(%arg8 : memref<2x64xi32, #tpu.memory_space<vmem>>) target_semaphore(%run_scoped3A : memref<!tpu.dma_semaphore, #tpu.memory_space<semaphore_mem>>)
          %dma_wait3A_124 = arith.constant 0 : i32
          %dma_wait3A_125 = arith.constant 0 : i32
          %dma_wait3A_126 = tpu.memref_slice %arg5[%add3A_68, %dma_wait3A_124, %dma_wait3A_125] : memref<5000x2x64xi32, #tpu.memory_space<hbm>> -> memref<1x2x64xi32, #tpu.memory_space<hbm>>
          %dma_wait3A_127 = tpu.memref_squeeze %dma_wait3A_126 : memref<1x2x64xi32, #tpu.memory_space<hbm>> -> memref<2x64xi32, #tpu.memory_space<hbm>>
          %dma_wait3A_128 = arith.constant 0 : i32
          %dma_wait3A_129 = arith.constant 0 : i32
          %dma_wait3A_130 = tpu.memref_slice %arg5[%add3A_68, %dma_wait3A_128, %dma_wait3A_129] : memref<5000x2x64xi32, #tpu.memory_space<hbm>> -> memref<1x2x64xi32, #tpu.memory_space<hbm>>
          %dma_wait3A_131 = tpu.memref_squeeze %dma_wait3A_130 : memref<1x2x64xi32, #tpu.memory_space<hbm>> -> memref<2x64xi32, #tpu.memory_space<hbm>>
          tpu.wait_dma2 semaphore(%run_scoped3A : memref<!tpu.dma_semaphore, #tpu.memory_space<semaphore_mem>>) src(%dma_wait3A_131 : memref<2x64xi32, #tpu.memory_space<hbm>>) dst(%arg8 : memref<2x64xi32, #tpu.memory_space<vmem>>)
          tpu.yield
        }) : () -> ()
        %dma_start3A = arith.constant 0 : i32
        %dma_start3A_97 = arith.constant 0 : i32
        %dma_start3A_98 = tpu.memref_slice %arg8[%dma_start3A, %dma_start3A_97] : memref<2x64xi32, #tpu.memory_space<vmem>> -> memref<1x64xi32, #tpu.memory_space<vmem>>
        %dma_start3A_99 = tpu.memref_squeeze %dma_start3A_98 : memref<1x64xi32, #tpu.memory_space<vmem>> -> memref<64xi32, #tpu.memory_space<vmem>>
        %dma_start3A_100 = arith.constant 0 : i32
        %dma_start3A_101 = arith.constant 0 : i32
        %dma_start3A_102 = tpu.memref_slice %arg2[%dma_start3A_100, %dma_start3A_101] : memref<10000x128xf32, #tpu.memory_space<hbm>> -> memref<10000x128xf32, #tpu.memory_space<hbm>>
        tpu.enqueue_indirect_dma source(%dma_start3A_102 : memref<10000x128xf32, #tpu.memory_space<hbm>>) target(%arg10 : memref<64x128xf32, #tpu.memory_space<vmem>>) offsets(%dma_start3A_99 : memref<64xi32, #tpu.memory_space<vmem>>) semaphore(%arg16 : memref<!tpu.dma_semaphore, #tpu.memory_space<semaphore_mem>>)
        %dma_start3A_103 = arith.constant 1 : i32
        %dma_start3A_104 = arith.constant 0 : i32
        %dma_start3A_105 = tpu.memref_slice %arg8[%dma_start3A_103, %dma_start3A_104] : memref<2x64xi32, #tpu.memory_space<vmem>> -> memref<1x64xi32, #tpu.memory_space<vmem>>
        %dma_start3A_106 = tpu.memref_squeeze %dma_start3A_105 : memref<1x64xi32, #tpu.memory_space<vmem>> -> memref<64xi32, #tpu.memory_space<vmem>>
        %dma_start3A_107 = arith.constant 0 : i32
        %dma_start3A_108 = arith.constant 0 : i32
        %dma_start3A_109 = tpu.memref_slice %arg3[%dma_start3A_107, %dma_start3A_108] : memref<10000x128xf32, #tpu.memory_space<hbm>> -> memref<10000x128xf32, #tpu.memory_space<hbm>>
        tpu.enqueue_indirect_dma source(%dma_start3A_109 : memref<10000x128xf32, #tpu.memory_space<hbm>>) target(%arg12 : memref<64x128xf32, #tpu.memory_space<vmem>>) offsets(%dma_start3A_106 : memref<64xi32, #tpu.memory_space<vmem>>) semaphore(%arg18 : memref<!tpu.dma_semaphore, #tpu.memory_space<semaphore_mem>>)
        %mul3A_110 = arith.constant 64 : i32
        %mul3A_111 = arith.muli %add3A_68, %mul3A_110 : i32
        %dma_start3A_112 = arith.constant 0 : i32
        %dma_start3A_113 = tpu.memref_slice %arg4[%mul3A_111, %dma_start3A_112] : memref<320000x128xf32, #tpu.memory_space<hbm>> -> memref<64x128xf32, #tpu.memory_space<hbm>>
        %dma_start3A_114 = arith.constant 0 : i32
        %dma_start3A_115 = tpu.memref_slice %arg4[%mul3A_111, %dma_start3A_114] : memref<320000x128xf32, #tpu.memory_space<hbm>> -> memref<64x128xf32, #tpu.memory_space<hbm>>
        tpu.enqueue_dma source(%dma_start3A_115 : memref<64x128xf32, #tpu.memory_space<hbm>>) target(%arg14 : memref<64x128xf32, #tpu.memory_space<vmem>>) target_semaphore(%arg20 : memref<!tpu.dma_semaphore, #tpu.memory_space<semaphore_mem>>)
      } else {
      }
      %lt3A_74 = arith.constant 5000 : i32
      %lt3A_75 = arith.cmpi slt, %add3A_66, %lt3A_74 : i32
      %convert_element_type3A_76 = arith.extui %lt3A_75 : i1 to i32
      %cond3A_77 = arith.constant 0 : i32
      %cond3A_78 = arith.cmpi ne, %convert_element_type3A_76, %cond3A_77 : i32
      scf.if %cond3A_78 {
        %dma_wait3A_93 = arith.constant 0 : i32
        %dma_wait3A_94 = arith.constant 0 : i32
        %dma_wait3A_95 = tpu.memref_slice %arg7[%dma_wait3A_93, %dma_wait3A_94] : memref<2x64xi32, #tpu.memory_space<vmem>> -> memref<1x64xi32, #tpu.memory_space<vmem>>
        %dma_wait3A_96 = tpu.memref_squeeze %dma_wait3A_95 : memref<1x64xi32, #tpu.memory_space<vmem>> -> memref<64xi32, #tpu.memory_space<vmem>>
        %dma_wait3A_97 = arith.constant 0 : i32
        %dma_wait3A_98 = arith.constant 0 : i32
        %dma_wait3A_99 = tpu.memref_slice %arg2[%dma_wait3A_97, %dma_wait3A_98] : memref<10000x128xf32, #tpu.memory_space<hbm>> -> memref<10000x128xf32, #tpu.memory_space<hbm>>
        tpu.wait_indirect_dma semaphore(%arg15 : memref<!tpu.dma_semaphore, #tpu.memory_space<semaphore_mem>>) src(%dma_wait3A_99 : memref<10000x128xf32, #tpu.memory_space<hbm>>) dst(%arg9 : memref<64x128xf32, #tpu.memory_space<vmem>>)
        %dma_wait3A_100 = arith.constant 1 : i32
        %dma_wait3A_101 = arith.constant 0 : i32
        %dma_wait3A_102 = tpu.memref_slice %arg7[%dma_wait3A_100, %dma_wait3A_101] : memref<2x64xi32, #tpu.memory_space<vmem>> -> memref<1x64xi32, #tpu.memory_space<vmem>>
        %dma_wait3A_103 = tpu.memref_squeeze %dma_wait3A_102 : memref<1x64xi32, #tpu.memory_space<vmem>> -> memref<64xi32, #tpu.memory_space<vmem>>
        %dma_wait3A_104 = arith.constant 0 : i32
        %dma_wait3A_105 = arith.constant 0 : i32
        %dma_wait3A_106 = tpu.memref_slice %arg3[%dma_wait3A_104, %dma_wait3A_105] : memref<10000x128xf32, #tpu.memory_space<hbm>> -> memref<10000x128xf32, #tpu.memory_space<hbm>>
        tpu.wait_indirect_dma semaphore(%arg17 : memref<!tpu.dma_semaphore, #tpu.memory_space<semaphore_mem>>) src(%dma_wait3A_106 : memref<10000x128xf32, #tpu.memory_space<hbm>>) dst(%arg11 : memref<64x128xf32, #tpu.memory_space<vmem>>)
        %mul3A_107 = arith.constant 64 : i32
        %mul3A_108 = arith.muli %add3A_66, %mul3A_107 : i32
        %dma_wait3A_109 = arith.constant 0 : i32
        %dma_wait3A_110 = tpu.memref_slice %arg4[%mul3A_108, %dma_wait3A_109] : memref<320000x128xf32, #tpu.memory_space<hbm>> -> memref<64x128xf32, #tpu.memory_space<hbm>>
        %dma_wait3A_111 = arith.constant 0 : i32
        %dma_wait3A_112 = tpu.memref_slice %arg4[%mul3A_108, %dma_wait3A_111] : memref<320000x128xf32, #tpu.memory_space<hbm>> -> memref<64x128xf32, #tpu.memory_space<hbm>>
        tpu.wait_dma2 semaphore(%arg19 : memref<!tpu.dma_semaphore, #tpu.memory_space<semaphore_mem>>) src(%dma_wait3A_112 : memref<64x128xf32, #tpu.memory_space<hbm>>) dst(%arg13 : memref<64x128xf32, #tpu.memory_space<vmem>>)
        %scan3A_113 = arith.constant 0 : i32
        %scan3A_114 = arith.constant 64 : i32
        %scan3A_115 = arith.addi %scan3A_113, %scan3A_114 : i32
        %scan3A_116 = arith.constant 1 : i32
        scf.for %scan3A_124 = %scan3A_113 to %scan3A_115 step %scan3A_116  : i32 {
          %mul3A_125 = arith.constant 1 : i32
          %mul3A_126 = arith.muli %scan3A_124, %mul3A_125 : i32
          %add3A_127 = arith.constant 0 : i32
          %add3A_128 = arith.addi %add3A_127, %mul3A_126 : i32
          %get3A = arith.index_cast %add3A_128 : i32 to index
          %get3A_129 = arith.constant 0 : index
          %get3A_130 = tpu.vector_load %arg9[%get3A, %get3A_129] {strides = array<i32>} : memref<64x128xf32, #tpu.memory_space<vmem>>, vector<1x16xf32>,
          %get3A_131 = vector.shape_cast %get3A_130 : vector<1x16xf32> to vector<16xf32>
          %get3A_132 = arith.index_cast %add3A_128 : i32 to index
          %get3A_133 = arith.constant 0 : index
          %get3A_134 = tpu.vector_load %arg11[%get3A_132, %get3A_133] {strides = array<i32>} : memref<64x128xf32, #tpu.memory_space<vmem>>, vector<1x16xf32>,
          %get3A_135 = vector.shape_cast %get3A_134 : vector<1x16xf32> to vector<16xf32>
          %add3A_136 = arith.addf %get3A_131, %get3A_135 : vector<16xf32>
          %get3A_137 = arith.index_cast %add3A_128 : i32 to index
          %get3A_138 = arith.constant 0 : index
          %get3A_139 = tpu.vector_load %arg13[%get3A_137, %get3A_138] {strides = array<i32>} : memref<64x128xf32, #tpu.memory_space<vmem>>, vector<1x16xf32>,
          %get3A_140 = vector.shape_cast %get3A_139 : vector<1x16xf32> to vector<16xf32>
          %add3A_141 = arith.addf %add3A_136, %get3A_140 : vector<16xf32>
          %max3A = arith.constant 0.000000e+00 : f32
          %max3A_142 = vector.broadcast %max3A : f32 to vector<16xf32>
          %max3A_143 = arith.maximumf %add3A_141, %max3A_142 : vector<16xf32>
          %swap3A = arith.index_cast %add3A_128 : i32 to index
          %swap3A_144 = arith.constant 0 : index
          %swap3A_145 = tpu.vector_load %arg13[%swap3A, %swap3A_144] {strides = array<i32>} : memref<64x128xf32, #tpu.memory_space<vmem>>, vector<1x16xf32>,
          %swap3A_146 = vector.shape_cast %swap3A_145 : vector<1x16xf32> to vector<16xf32>
          %swap3A_147 = vector.shape_cast %max3A_143 : vector<16xf32> to vector<1x16xf32>
          tpu.vector_store %arg13[%swap3A, %swap3A_144], %swap3A_147 {strides = array<i32>} : memref<64x128xf32, #tpu.memory_space<vmem>>, vector<1x16xf32>,
          %get3A_148 = arith.index_cast %add3A_128 : i32 to index
          %get3A_149 = arith.constant 16 : index
          %get3A_150 = tpu.vector_load %arg9[%get3A_148, %get3A_149] {strides = array<i32>} : memref<64x128xf32, #tpu.memory_space<vmem>>, vector<1x16xf32>,
          %get3A_151 = vector.shape_cast %get3A_150 : vector<1x16xf32> to vector<16xf32>
          %get3A_152 = arith.index_cast %add3A_128 : i32 to index
          %get3A_153 = arith.constant 16 : index
          %get3A_154 = tpu.vector_load %arg11[%get3A_152, %get3A_153] {strides = array<i32>} : memref<64x128xf32, #tpu.memory_space<vmem>>, vector<1x16xf32>,
          %get3A_155 = vector.shape_cast %get3A_154 : vector<1x16xf32> to vector<16xf32>
          %add3A_156 = arith.addf %get3A_151, %get3A_155 : vector<16xf32>
          %get3A_157 = arith.index_cast %add3A_128 : i32 to index
          %get3A_158 = arith.constant 16 : index
          %get3A_159 = tpu.vector_load %arg13[%get3A_157, %get3A_158] {strides = array<i32>} : memref<64x128xf32, #tpu.memory_space<vmem>>, vector<1x16xf32>,
          %get3A_160 = vector.shape_cast %get3A_159 : vector<1x16xf32> to vector<16xf32>
          %add3A_161 = arith.addf %add3A_156, %get3A_160 : vector<16xf32>
          %max3A_162 = arith.constant 0.000000e+00 : f32
          %max3A_163 = vector.broadcast %max3A_162 : f32 to vector<16xf32>
          %max3A_164 = arith.maximumf %add3A_161, %max3A_163 : vector<16xf32>
          %swap3A_165 = arith.index_cast %add3A_128 : i32 to index
          %swap3A_166 = arith.constant 16 : index
          %swap3A_167 = tpu.vector_load %arg13[%swap3A_165, %swap3A_166] {strides = array<i32>} : memref<64x128xf32, #tpu.memory_space<vmem>>, vector<1x16xf32>,
          %swap3A_168 = vector.shape_cast %swap3A_167 : vector<1x16xf32> to vector<16xf32>
          %swap3A_169 = vector.shape_cast %max3A_164 : vector<16xf32> to vector<1x16xf32>
          tpu.vector_store %arg13[%swap3A_165, %swap3A_166], %swap3A_169 {strides = array<i32>} : memref<64x128xf32, #tpu.memory_space<vmem>>, vector<1x16xf32>,
          %get3A_170 = arith.index_cast %add3A_128 : i32 to index
          %get3A_171 = arith.constant 32 : index
          %get3A_172 = tpu.vector_load %arg9[%get3A_170, %get3A_171] {strides = array<i32>} : memref<64x128xf32, #tpu.memory_space<vmem>>, vector<1x16xf32>,
          %get3A_173 = vector.shape_cast %get3A_172 : vector<1x16xf32> to vector<16xf32>
          %get3A_174 = arith.index_cast %add3A_128 : i32 to index
          %get3A_175 = arith.constant 32 : index
          %get3A_176 = tpu.vector_load %arg11[%get3A_174, %get3A_175] {strides = array<i32>} : memref<64x128xf32, #tpu.memory_space<vmem>>, vector<1x16xf32>,
          %get3A_177 = vector.shape_cast %get3A_176 : vector<1x16xf32> to vector<16xf32>
          %add3A_178 = arith.addf %get3A_173, %get3A_177 : vector<16xf32>
          %get3A_179 = arith.index_cast %add3A_128 : i32 to index
          %get3A_180 = arith.constant 32 : index
          %get3A_181 = tpu.vector_load %arg13[%get3A_179, %get3A_180] {strides = array<i32>} : memref<64x128xf32, #tpu.memory_space<vmem>>, vector<1x16xf32>,
          %get3A_182 = vector.shape_cast %get3A_181 : vector<1x16xf32> to vector<16xf32>
          %add3A_183 = arith.addf %add3A_178, %get3A_182 : vector<16xf32>
          %max3A_184 = arith.constant 0.000000e+00 : f32
          %max3A_185 = vector.broadcast %max3A_184 : f32 to vector<16xf32>
          %max3A_186 = arith.maximumf %add3A_183, %max3A_185 : vector<16xf32>
          %swap3A_187 = arith.index_cast %add3A_128 : i32 to index
          %swap3A_188 = arith.constant 32 : index
          %swap3A_189 = tpu.vector_load %arg13[%swap3A_187, %swap3A_188] {strides = array<i32>} : memref<64x128xf32, #tpu.memory_space<vmem>>, vector<1x16xf32>,
          %swap3A_190 = vector.shape_cast %swap3A_189 : vector<1x16xf32> to vector<16xf32>
          %swap3A_191 = vector.shape_cast %max3A_186 : vector<16xf32> to vector<1x16xf32>
          tpu.vector_store %arg13[%swap3A_187, %swap3A_188], %swap3A_191 {strides = array<i32>} : memref<64x128xf32, #tpu.memory_space<vmem>>, vector<1x16xf32>,
          %get3A_192 = arith.index_cast %add3A_128 : i32 to index
          %get3A_193 = arith.constant 48 : index
          %get3A_194 = tpu.vector_load %arg9[%get3A_192, %get3A_193] {strides = array<i32>} : memref<64x128xf32, #tpu.memory_space<vmem>>, vector<1x16xf32>,
          %get3A_195 = vector.shape_cast %get3A_194 : vector<1x16xf32> to vector<16xf32>
          %get3A_196 = arith.index_cast %add3A_128 : i32 to index
          %get3A_197 = arith.constant 48 : index
          %get3A_198 = tpu.vector_load %arg11[%get3A_196, %get3A_197] {strides = array<i32>} : memref<64x128xf32, #tpu.memory_space<vmem>>, vector<1x16xf32>,
          %get3A_199 = vector.shape_cast %get3A_198 : vector<1x16xf32> to vector<16xf32>
          %add3A_200 = arith.addf %get3A_195, %get3A_199 : vector<16xf32>
          %get3A_201 = arith.index_cast %add3A_128 : i32 to index
          %get3A_202 = arith.constant 48 : index
          %get3A_203 = tpu.vector_load %arg13[%get3A_201, %get3A_202] {strides = array<i32>} : memref<64x128xf32, #tpu.memory_space<vmem>>, vector<1x16xf32>,
          %get3A_204 = vector.shape_cast %get3A_203 : vector<1x16xf32> to vector<16xf32>
          %add3A_205 = arith.addf %add3A_200, %get3A_204 : vector<16xf32>
          %max3A_206 = arith.constant 0.000000e+00 : f32
          %max3A_207 = vector.broadcast %max3A_206 : f32 to vector<16xf32>
          %max3A_208 = arith.maximumf %add3A_205, %max3A_207 : vector<16xf32>
          %swap3A_209 = arith.index_cast %add3A_128 : i32 to index
          %swap3A_210 = arith.constant 48 : index
          %swap3A_211 = tpu.vector_load %arg13[%swap3A_209, %swap3A_210] {strides = array<i32>} : memref<64x128xf32, #tpu.memory_space<vmem>>, vector<1x16xf32>,
          %swap3A_212 = vector.shape_cast %swap3A_211 : vector<1x16xf32> to vector<16xf32>
          %swap3A_213 = vector.shape_cast %max3A_208 : vector<16xf32> to vector<1x16xf32>
          tpu.vector_store %arg13[%swap3A_209, %swap3A_210], %swap3A_213 {strides = array<i32>} : memref<64x128xf32, #tpu.memory_space<vmem>>, vector<1x16xf32>,
          %get3A_214 = arith.index_cast %add3A_128 : i32 to index
          %get3A_215 = arith.constant 64 : index
          %get3A_216 = tpu.vector_load %arg9[%get3A_214, %get3A_215] {strides = array<i32>} : memref<64x128xf32, #tpu.memory_space<vmem>>, vector<1x16xf32>,
          %get3A_217 = vector.shape_cast %get3A_216 : vector<1x16xf32> to vector<16xf32>
          %get3A_218 = arith.index_cast %add3A_128 : i32 to index
          %get3A_219 = arith.constant 64 : index
          %get3A_220 = tpu.vector_load %arg11[%get3A_218, %get3A_219] {strides = array<i32>} : memref<64x128xf32, #tpu.memory_space<vmem>>, vector<1x16xf32>,
          %get3A_221 = vector.shape_cast %get3A_220 : vector<1x16xf32> to vector<16xf32>
          %add3A_222 = arith.addf %get3A_217, %get3A_221 : vector<16xf32>
          %get3A_223 = arith.index_cast %add3A_128 : i32 to index
          %get3A_224 = arith.constant 64 : index
          %get3A_225 = tpu.vector_load %arg13[%get3A_223, %get3A_224] {strides = array<i32>} : memref<64x128xf32, #tpu.memory_space<vmem>>, vector<1x16xf32>,
          %get3A_226 = vector.shape_cast %get3A_225 : vector<1x16xf32> to vector<16xf32>
          %add3A_227 = arith.addf %add3A_222, %get3A_226 : vector<16xf32>
          %max3A_228 = arith.constant 0.000000e+00 : f32
          %max3A_229 = vector.broadcast %max3A_228 : f32 to vector<16xf32>
          %max3A_230 = arith.maximumf %add3A_227, %max3A_229 : vector<16xf32>
          %swap3A_231 = arith.index_cast %add3A_128 : i32 to index
          %swap3A_232 = arith.constant 64 : index
          %swap3A_233 = tpu.vector_load %arg13[%swap3A_231, %swap3A_232] {strides = array<i32>} : memref<64x128xf32, #tpu.memory_space<vmem>>, vector<1x16xf32>,
          %swap3A_234 = vector.shape_cast %swap3A_233 : vector<1x16xf32> to vector<16xf32>
          %swap3A_235 = vector.shape_cast %max3A_230 : vector<16xf32> to vector<1x16xf32>
          tpu.vector_store %arg13[%swap3A_231, %swap3A_232], %swap3A_235 {strides = array<i32>} : memref<64x128xf32, #tpu.memory_space<vmem>>, vector<1x16xf32>,
          %get3A_236 = arith.index_cast %add3A_128 : i32 to index
          %get3A_237 = arith.constant 80 : index
          %get3A_238 = tpu.vector_load %arg9[%get3A_236, %get3A_237] {strides = array<i32>} : memref<64x128xf32, #tpu.memory_space<vmem>>, vector<1x16xf32>,
          %get3A_239 = vector.shape_cast %get3A_238 : vector<1x16xf32> to vector<16xf32>
          %get3A_240 = arith.index_cast %add3A_128 : i32 to index
          %get3A_241 = arith.constant 80 : index
          %get3A_242 = tpu.vector_load %arg11[%get3A_240, %get3A_241] {strides = array<i32>} : memref<64x128xf32, #tpu.memory_space<vmem>>, vector<1x16xf32>,
          %get3A_243 = vector.shape_cast %get3A_242 : vector<1x16xf32> to vector<16xf32>
          %add3A_244 = arith.addf %get3A_239, %get3A_243 : vector<16xf32>
          %get3A_245 = arith.index_cast %add3A_128 : i32 to index
          %get3A_246 = arith.constant 80 : index
          %get3A_247 = tpu.vector_load %arg13[%get3A_245, %get3A_246] {strides = array<i32>} : memref<64x128xf32, #tpu.memory_space<vmem>>, vector<1x16xf32>,
          %get3A_248 = vector.shape_cast %get3A_247 : vector<1x16xf32> to vector<16xf32>
          %add3A_249 = arith.addf %add3A_244, %get3A_248 : vector<16xf32>
          %max3A_250 = arith.constant 0.000000e+00 : f32
          %max3A_251 = vector.broadcast %max3A_250 : f32 to vector<16xf32>
          %max3A_252 = arith.maximumf %add3A_249, %max3A_251 : vector<16xf32>
          %swap3A_253 = arith.index_cast %add3A_128 : i32 to index
          %swap3A_254 = arith.constant 80 : index
          %swap3A_255 = tpu.vector_load %arg13[%swap3A_253, %swap3A_254] {strides = array<i32>} : memref<64x128xf32, #tpu.memory_space<vmem>>, vector<1x16xf32>,
          %swap3A_256 = vector.shape_cast %swap3A_255 : vector<1x16xf32> to vector<16xf32>
          %swap3A_257 = vector.shape_cast %max3A_252 : vector<16xf32> to vector<1x16xf32>
          tpu.vector_store %arg13[%swap3A_253, %swap3A_254], %swap3A_257 {strides = array<i32>} : memref<64x128xf32, #tpu.memory_space<vmem>>, vector<1x16xf32>,
          %get3A_258 = arith.index_cast %add3A_128 : i32 to index
          %get3A_259 = arith.constant 96 : index
          %get3A_260 = tpu.vector_load %arg9[%get3A_258, %get3A_259] {strides = array<i32>} : memref<64x128xf32, #tpu.memory_space<vmem>>, vector<1x16xf32>,
          %get3A_261 = vector.shape_cast %get3A_260 : vector<1x16xf32> to vector<16xf32>
          %get3A_262 = arith.index_cast %add3A_128 : i32 to index
          %get3A_263 = arith.constant 96 : index
          %get3A_264 = tpu.vector_load %arg11[%get3A_262, %get3A_263] {strides = array<i32>} : memref<64x128xf32, #tpu.memory_space<vmem>>, vector<1x16xf32>,
          %get3A_265 = vector.shape_cast %get3A_264 : vector<1x16xf32> to vector<16xf32>
          %add3A_266 = arith.addf %get3A_261, %get3A_265 : vector<16xf32>
          %get3A_267 = arith.index_cast %add3A_128 : i32 to index
          %get3A_268 = arith.constant 96 : index
          %get3A_269 = tpu.vector_load %arg13[%get3A_267, %get3A_268] {strides = array<i32>} : memref<64x128xf32, #tpu.memory_space<vmem>>, vector<1x16xf32>,
          %get3A_270 = vector.shape_cast %get3A_269 : vector<1x16xf32> to vector<16xf32>
          %add3A_271 = arith.addf %add3A_266, %get3A_270 : vector<16xf32>
          %max3A_272 = arith.constant 0.000000e+00 : f32
          %max3A_273 = vector.broadcast %max3A_272 : f32 to vector<16xf32>
          %max3A_274 = arith.maximumf %add3A_271, %max3A_273 : vector<16xf32>
          %swap3A_275 = arith.index_cast %add3A_128 : i32 to index
          %swap3A_276 = arith.constant 96 : index
          %swap3A_277 = tpu.vector_load %arg13[%swap3A_275, %swap3A_276] {strides = array<i32>} : memref<64x128xf32, #tpu.memory_space<vmem>>, vector<1x16xf32>,
          %swap3A_278 = vector.shape_cast %swap3A_277 : vector<1x16xf32> to vector<16xf32>
          %swap3A_279 = vector.shape_cast %max3A_274 : vector<16xf32> to vector<1x16xf32>
          tpu.vector_store %arg13[%swap3A_275, %swap3A_276], %swap3A_279 {strides = array<i32>} : memref<64x128xf32, #tpu.memory_space<vmem>>, vector<1x16xf32>,
          %get3A_280 = arith.index_cast %add3A_128 : i32 to index
          %get3A_281 = arith.constant 112 : index
          %get3A_282 = tpu.vector_load %arg9[%get3A_280, %get3A_281] {strides = array<i32>} : memref<64x128xf32, #tpu.memory_space<vmem>>, vector<1x16xf32>,
          %get3A_283 = vector.shape_cast %get3A_282 : vector<1x16xf32> to vector<16xf32>
          %get3A_284 = arith.index_cast %add3A_128 : i32 to index
          %get3A_285 = arith.constant 112 : index
          %get3A_286 = tpu.vector_load %arg11[%get3A_284, %get3A_285] {strides = array<i32>} : memref<64x128xf32, #tpu.memory_space<vmem>>, vector<1x16xf32>,
          %get3A_287 = vector.shape_cast %get3A_286 : vector<1x16xf32> to vector<16xf32>
          %add3A_288 = arith.addf %get3A_283, %get3A_287 : vector<16xf32>
          %get3A_289 = arith.index_cast %add3A_128 : i32 to index
          %get3A_290 = arith.constant 112 : index
          %get3A_291 = tpu.vector_load %arg13[%get3A_289, %get3A_290] {strides = array<i32>} : memref<64x128xf32, #tpu.memory_space<vmem>>, vector<1x16xf32>,
          %get3A_292 = vector.shape_cast %get3A_291 : vector<1x16xf32> to vector<16xf32>
          %add3A_293 = arith.addf %add3A_288, %get3A_292 : vector<16xf32>
          %max3A_294 = arith.constant 0.000000e+00 : f32
          %max3A_295 = vector.broadcast %max3A_294 : f32 to vector<16xf32>
          %max3A_296 = arith.maximumf %add3A_293, %max3A_295 : vector<16xf32>
          %swap3A_297 = arith.index_cast %add3A_128 : i32 to index
          %swap3A_298 = arith.constant 112 : index
          %swap3A_299 = tpu.vector_load %arg13[%swap3A_297, %swap3A_298] {strides = array<i32>} : memref<64x128xf32, #tpu.memory_space<vmem>>, vector<1x16xf32>,
          %swap3A_300 = vector.shape_cast %swap3A_299 : vector<1x16xf32> to vector<16xf32>
          %swap3A_301 = vector.shape_cast %max3A_296 : vector<16xf32> to vector<1x16xf32>
          tpu.vector_store %arg13[%swap3A_297, %swap3A_298], %swap3A_301 {strides = array<i32>} : memref<64x128xf32, #tpu.memory_space<vmem>>, vector<1x16xf32>,
        }
        %scan3A_117 = arith.constant 64 : i32
        %dma_start3A = arith.constant 1 : i32
        %dma_start3A_118 = arith.constant 0 : i32
        %dma_start3A_119 = tpu.memref_slice %arg7[%dma_start3A, %dma_start3A_118] : memref<2x64xi32, #tpu.memory_space<vmem>> -> memref<1x64xi32, #tpu.memory_space<vmem>>
        %dma_start3A_120 = tpu.memref_squeeze %dma_start3A_119 : memref<1x64xi32, #tpu.memory_space<vmem>> -> memref<64xi32, #tpu.memory_space<vmem>>
        %dma_start3A_121 = arith.constant 0 : i32
        %dma_start3A_122 = arith.constant 0 : i32
        %dma_start3A_123 = tpu.memref_slice %arg23[%dma_start3A_121, %dma_start3A_122] : memref<10112x128xf32, #tpu.memory_space<vmem_shared>> -> memref<10112x128xf32, #tpu.memory_space<vmem_shared>>
        tpu.enqueue_indirect_dma source(%arg13 : memref<64x128xf32, #tpu.memory_space<vmem>>) target(%dma_start3A_123 : memref<10112x128xf32, #tpu.memory_space<vmem_shared>>) offsets(%dma_start3A_120 : memref<64xi32, #tpu.memory_space<vmem>>) semaphore(%arg21 : memref<!tpu.dma_semaphore, #tpu.memory_space<semaphore_mem>>) {add = true}
      } else {
      }
      %add3A_79 = arith.constant 64 : i32
      %add3A_80 = arith.addi %add3A_66, %add3A_79 : i32
      %lt3A_81 = arith.constant 5000 : i32
      %lt3A_82 = arith.cmpi slt, %add3A_80, %lt3A_81 : i32
      %convert_element_type3A_83 = arith.extui %lt3A_82 : i1 to i32
      %cond3A_84 = arith.constant 0 : i32
      %cond3A_85 = arith.cmpi ne, %convert_element_type3A_83, %cond3A_84 : i32
      scf.if %cond3A_85 {
        %ge3A = arith.constant 64 : i32
        %ge3A_93 = arith.cmpi sge, %add3A_80, %ge3A : i32
        %convert_element_type3A_94 = arith.extui %ge3A_93 : i1 to i32
        %cond3A_95 = arith.constant 0 : i32
        %cond3A_96 = arith.cmpi ne, %convert_element_type3A_94, %cond3A_95 : i32
        scf.if %cond3A_96 {
          %dma_wait3A_116 = arith.constant 1 : i32
          %dma_wait3A_117 = arith.constant 0 : i32
          %dma_wait3A_118 = tpu.memref_slice %arg7[%dma_wait3A_116, %dma_wait3A_117] : memref<2x64xi32, #tpu.memory_space<vmem>> -> memref<1x64xi32, #tpu.memory_space<vmem>>
          %dma_wait3A_119 = tpu.memref_squeeze %dma_wait3A_118 : memref<1x64xi32, #tpu.memory_space<vmem>> -> memref<64xi32, #tpu.memory_space<vmem>>
          %dma_wait3A_120 = arith.constant 0 : i32
          %dma_wait3A_121 = arith.constant 0 : i32
          %dma_wait3A_122 = tpu.memref_slice %arg23[%dma_wait3A_120, %dma_wait3A_121] : memref<10112x128xf32, #tpu.memory_space<vmem_shared>> -> memref<10112x128xf32, #tpu.memory_space<vmem_shared>>
          tpu.wait_indirect_dma semaphore(%arg21 : memref<!tpu.dma_semaphore, #tpu.memory_space<semaphore_mem>>) src(%arg13 : memref<64x128xf32, #tpu.memory_space<vmem>>) dst(%dma_wait3A_122 : memref<10112x128xf32, #tpu.memory_space<vmem_shared>>)
        } else {
        }
        "tpu.region"() ({
          %run_scoped3A = tpu.sem_alloc : memref<!tpu.dma_semaphore, #tpu.memory_space<semaphore_mem>>
          %dma_start3A_116 = arith.constant 0 : i32
          %dma_start3A_117 = arith.constant 0 : i32
          %dma_start3A_118 = tpu.memref_slice %arg5[%add3A_80, %dma_start3A_116, %dma_start3A_117] : memref<5000x2x64xi32, #tpu.memory_space<hbm>> -> memref<1x2x64xi32, #tpu.memory_space<hbm>>
          %dma_start3A_119 = tpu.memref_squeeze %dma_start3A_118 : memref<1x2x64xi32, #tpu.memory_space<hbm>> -> memref<2x64xi32, #tpu.memory_space<hbm>>
          %dma_start3A_120 = arith.constant 0 : i32
          %dma_start3A_121 = arith.constant 0 : i32
          %dma_start3A_122 = tpu.memref_slice %arg5[%add3A_80, %dma_start3A_120, %dma_start3A_121] : memref<5000x2x64xi32, #tpu.memory_space<hbm>> -> memref<1x2x64xi32, #tpu.memory_space<hbm>>
          %dma_start3A_123 = tpu.memref_squeeze %dma_start3A_122 : memref<1x2x64xi32, #tpu.memory_space<hbm>> -> memref<2x64xi32, #tpu.memory_space<hbm>>
          tpu.enqueue_dma source(%dma_start3A_123 : memref<2x64xi32, #tpu.memory_space<hbm>>) target(%arg7 : memref<2x64xi32, #tpu.memory_space<vmem>>) target_semaphore(%run_scoped3A : memref<!tpu.dma_semaphore, #tpu.memory_space<semaphore_mem>>)
          %dma_wait3A_124 = arith.constant 0 : i32
          %dma_wait3A_125 = arith.constant 0 : i32
          %dma_wait3A_126 = tpu.memref_slice %arg5[%add3A_80, %dma_wait3A_124, %dma_wait3A_125] : memref<5000x2x64xi32, #tpu.memory_space<hbm>> -> memref<1x2x64xi32, #tpu.memory_space<hbm>>
          %dma_wait3A_127 = tpu.memref_squeeze %dma_wait3A_126 : memref<1x2x64xi32, #tpu.memory_space<hbm>> -> memref<2x64xi32, #tpu.memory_space<hbm>>
          %dma_wait3A_128 = arith.constant 0 : i32
          %dma_wait3A_129 = arith.constant 0 : i32
          %dma_wait3A_130 = tpu.memref_slice %arg5[%add3A_80, %dma_wait3A_128, %dma_wait3A_129] : memref<5000x2x64xi32, #tpu.memory_space<hbm>> -> memref<1x2x64xi32, #tpu.memory_space<hbm>>
          %dma_wait3A_131 = tpu.memref_squeeze %dma_wait3A_130 : memref<1x2x64xi32, #tpu.memory_space<hbm>> -> memref<2x64xi32, #tpu.memory_space<hbm>>
          tpu.wait_dma2 semaphore(%run_scoped3A : memref<!tpu.dma_semaphore, #tpu.memory_space<semaphore_mem>>) src(%dma_wait3A_131 : memref<2x64xi32, #tpu.memory_space<hbm>>) dst(%arg7 : memref<2x64xi32, #tpu.memory_space<vmem>>)
          tpu.yield
        }) : () -> ()
        %dma_start3A = arith.constant 0 : i32
        %dma_start3A_97 = arith.constant 0 : i32
        %dma_start3A_98 = tpu.memref_slice %arg7[%dma_start3A, %dma_start3A_97] : memref<2x64xi32, #tpu.memory_space<vmem>> -> memref<1x64xi32, #tpu.memory_space<vmem>>
        %dma_start3A_99 = tpu.memref_squeeze %dma_start3A_98 : memref<1x64xi32, #tpu.memory_space<vmem>> -> memref<64xi32, #tpu.memory_space<vmem>>
        %dma_start3A_100 = arith.constant 0 : i32
        %dma_start3A_101 = arith.constant 0 : i32
        %dma_start3A_102 = tpu.memref_slice %arg2[%dma_start3A_100, %dma_start3A_101] : memref<10000x128xf32, #tpu.memory_space<hbm>> -> memref<10000x128xf32, #tpu.memory_space<hbm>>
        tpu.enqueue_indirect_dma source(%dma_start3A_102 : memref<10000x128xf32, #tpu.memory_space<hbm>>) target(%arg9 : memref<64x128xf32, #tpu.memory_space<vmem>>) offsets(%dma_start3A_99 : memref<64xi32, #tpu.memory_space<vmem>>) semaphore(%arg15 : memref<!tpu.dma_semaphore, #tpu.memory_space<semaphore_mem>>)
        %dma_start3A_103 = arith.constant 1 : i32
        %dma_start3A_104 = arith.constant 0 : i32
        %dma_start3A_105 = tpu.memref_slice %arg7[%dma_start3A_103, %dma_start3A_104] : memref<2x64xi32, #tpu.memory_space<vmem>> -> memref<1x64xi32, #tpu.memory_space<vmem>>
        %dma_start3A_106 = tpu.memref_squeeze %dma_start3A_105 : memref<1x64xi32, #tpu.memory_space<vmem>> -> memref<64xi32, #tpu.memory_space<vmem>>
        %dma_start3A_107 = arith.constant 0 : i32
        %dma_start3A_108 = arith.constant 0 : i32
        %dma_start3A_109 = tpu.memref_slice %arg3[%dma_start3A_107, %dma_start3A_108] : memref<10000x128xf32, #tpu.memory_space<hbm>> -> memref<10000x128xf32, #tpu.memory_space<hbm>>
        tpu.enqueue_indirect_dma source(%dma_start3A_109 : memref<10000x128xf32, #tpu.memory_space<hbm>>) target(%arg11 : memref<64x128xf32, #tpu.memory_space<vmem>>) offsets(%dma_start3A_106 : memref<64xi32, #tpu.memory_space<vmem>>) semaphore(%arg17 : memref<!tpu.dma_semaphore, #tpu.memory_space<semaphore_mem>>)
        %mul3A_110 = arith.constant 64 : i32
        %mul3A_111 = arith.muli %add3A_80, %mul3A_110 : i32
        %dma_start3A_112 = arith.constant 0 : i32
        %dma_start3A_113 = tpu.memref_slice %arg4[%mul3A_111, %dma_start3A_112] : memref<320000x128xf32, #tpu.memory_space<hbm>> -> memref<64x128xf32, #tpu.memory_space<hbm>>
        %dma_start3A_114 = arith.constant 0 : i32
        %dma_start3A_115 = tpu.memref_slice %arg4[%mul3A_111, %dma_start3A_114] : memref<320000x128xf32, #tpu.memory_space<hbm>> -> memref<64x128xf32, #tpu.memory_space<hbm>>
        tpu.enqueue_dma source(%dma_start3A_115 : memref<64x128xf32, #tpu.memory_space<hbm>>) target(%arg13 : memref<64x128xf32, #tpu.memory_space<vmem>>) target_semaphore(%arg19 : memref<!tpu.dma_semaphore, #tpu.memory_space<semaphore_mem>>)
      } else {
      }
      %add3A_86 = arith.constant 32 : i32
      %add3A_87 = arith.addi %add3A_66, %add3A_86 : i32
      %lt3A_88 = arith.constant 5000 : i32
      %lt3A_89 = arith.cmpi slt, %add3A_87, %lt3A_88 : i32
      %convert_element_type3A_90 = arith.extui %lt3A_89 : i1 to i32
      %cond3A_91 = arith.constant 0 : i32
      %cond3A_92 = arith.cmpi ne, %convert_element_type3A_90, %cond3A_91 : i32
      scf.if %cond3A_92 {
        %dma_wait3A_93 = arith.constant 0 : i32
        %dma_wait3A_94 = arith.constant 0 : i32
        %dma_wait3A_95 = tpu.memref_slice %arg8[%dma_wait3A_93, %dma_wait3A_94] : memref<2x64xi32, #tpu.memory_space<vmem>> -> memref<1x64xi32, #tpu.memory_space<vmem>>
        %dma_wait3A_96 = tpu.memref_squeeze %dma_wait3A_95 : memref<1x64xi32, #tpu.memory_space<vmem>> -> memref<64xi32, #tpu.memory_space<vmem>>
        %dma_wait3A_97 = arith.constant 0 : i32
        %dma_wait3A_98 = arith.constant 0 : i32
        %dma_wait3A_99 = tpu.memref_slice %arg2[%dma_wait3A_97, %dma_wait3A_98] : memref<10000x128xf32, #tpu.memory_space<hbm>> -> memref<10000x128xf32, #tpu.memory_space<hbm>>
        tpu.wait_indirect_dma semaphore(%arg16 : memref<!tpu.dma_semaphore, #tpu.memory_space<semaphore_mem>>) src(%dma_wait3A_99 : memref<10000x128xf32, #tpu.memory_space<hbm>>) dst(%arg10 : memref<64x128xf32, #tpu.memory_space<vmem>>)
        %dma_wait3A_100 = arith.constant 1 : i32
        %dma_wait3A_101 = arith.constant 0 : i32
        %dma_wait3A_102 = tpu.memref_slice %arg8[%dma_wait3A_100, %dma_wait3A_101] : memref<2x64xi32, #tpu.memory_space<vmem>> -> memref<1x64xi32, #tpu.memory_space<vmem>>
        %dma_wait3A_103 = tpu.memref_squeeze %dma_wait3A_102 : memref<1x64xi32, #tpu.memory_space<vmem>> -> memref<64xi32, #tpu.memory_space<vmem>>
        %dma_wait3A_104 = arith.constant 0 : i32
        %dma_wait3A_105 = arith.constant 0 : i32
        %dma_wait3A_106 = tpu.memref_slice %arg3[%dma_wait3A_104, %dma_wait3A_105] : memref<10000x128xf32, #tpu.memory_space<hbm>> -> memref<10000x128xf32, #tpu.memory_space<hbm>>
        tpu.wait_indirect_dma semaphore(%arg18 : memref<!tpu.dma_semaphore, #tpu.memory_space<semaphore_mem>>) src(%dma_wait3A_106 : memref<10000x128xf32, #tpu.memory_space<hbm>>) dst(%arg12 : memref<64x128xf32, #tpu.memory_space<vmem>>)
        %mul3A_107 = arith.constant 64 : i32
        %mul3A_108 = arith.muli %add3A_87, %mul3A_107 : i32
        %dma_wait3A_109 = arith.constant 0 : i32
        %dma_wait3A_110 = tpu.memref_slice %arg4[%mul3A_108, %dma_wait3A_109] : memref<320000x128xf32, #tpu.memory_space<hbm>> -> memref<64x128xf32, #tpu.memory_space<hbm>>
        %dma_wait3A_111 = arith.constant 0 : i32
        %dma_wait3A_112 = tpu.memref_slice %arg4[%mul3A_108, %dma_wait3A_111] : memref<320000x128xf32, #tpu.memory_space<hbm>> -> memref<64x128xf32, #tpu.memory_space<hbm>>
        tpu.wait_dma2 semaphore(%arg20 : memref<!tpu.dma_semaphore, #tpu.memory_space<semaphore_mem>>) src(%dma_wait3A_112 : memref<64x128xf32, #tpu.memory_space<hbm>>) dst(%arg14 : memref<64x128xf32, #tpu.memory_space<vmem>>)
        %scan3A_113 = arith.constant 0 : i32
        %scan3A_114 = arith.constant 64 : i32
        %scan3A_115 = arith.addi %scan3A_113, %scan3A_114 : i32
        %scan3A_116 = arith.constant 1 : i32
        scf.for %scan3A_124 = %scan3A_113 to %scan3A_115 step %scan3A_116  : i32 {
          %mul3A_125 = arith.constant 1 : i32
          %mul3A_126 = arith.muli %scan3A_124, %mul3A_125 : i32
          %add3A_127 = arith.constant 0 : i32
          %add3A_128 = arith.addi %add3A_127, %mul3A_126 : i32
          %get3A = arith.index_cast %add3A_128 : i32 to index
          %get3A_129 = arith.constant 0 : index
          %get3A_130 = tpu.vector_load %arg10[%get3A, %get3A_129] {strides = array<i32>} : memref<64x128xf32, #tpu.memory_space<vmem>>, vector<1x16xf32>,
          %get3A_131 = vector.shape_cast %get3A_130 : vector<1x16xf32> to vector<16xf32>
          %get3A_132 = arith.index_cast %add3A_128 : i32 to index
          %get3A_133 = arith.constant 0 : index
          %get3A_134 = tpu.vector_load %arg12[%get3A_132, %get3A_133] {strides = array<i32>} : memref<64x128xf32, #tpu.memory_space<vmem>>, vector<1x16xf32>,
          %get3A_135 = vector.shape_cast %get3A_134 : vector<1x16xf32> to vector<16xf32>
          %add3A_136 = arith.addf %get3A_131, %get3A_135 : vector<16xf32>
          %get3A_137 = arith.index_cast %add3A_128 : i32 to index
          %get3A_138 = arith.constant 0 : index
          %get3A_139 = tpu.vector_load %arg14[%get3A_137, %get3A_138] {strides = array<i32>} : memref<64x128xf32, #tpu.memory_space<vmem>>, vector<1x16xf32>,
          %get3A_140 = vector.shape_cast %get3A_139 : vector<1x16xf32> to vector<16xf32>
          %add3A_141 = arith.addf %add3A_136, %get3A_140 : vector<16xf32>
          %max3A = arith.constant 0.000000e+00 : f32
          %max3A_142 = vector.broadcast %max3A : f32 to vector<16xf32>
          %max3A_143 = arith.maximumf %add3A_141, %max3A_142 : vector<16xf32>
          %swap3A = arith.index_cast %add3A_128 : i32 to index
          %swap3A_144 = arith.constant 0 : index
          %swap3A_145 = tpu.vector_load %arg14[%swap3A, %swap3A_144] {strides = array<i32>} : memref<64x128xf32, #tpu.memory_space<vmem>>, vector<1x16xf32>,
          %swap3A_146 = vector.shape_cast %swap3A_145 : vector<1x16xf32> to vector<16xf32>
          %swap3A_147 = vector.shape_cast %max3A_143 : vector<16xf32> to vector<1x16xf32>
          tpu.vector_store %arg14[%swap3A, %swap3A_144], %swap3A_147 {strides = array<i32>} : memref<64x128xf32, #tpu.memory_space<vmem>>, vector<1x16xf32>,
          %get3A_148 = arith.index_cast %add3A_128 : i32 to index
          %get3A_149 = arith.constant 16 : index
          %get3A_150 = tpu.vector_load %arg10[%get3A_148, %get3A_149] {strides = array<i32>} : memref<64x128xf32, #tpu.memory_space<vmem>>, vector<1x16xf32>,
          %get3A_151 = vector.shape_cast %get3A_150 : vector<1x16xf32> to vector<16xf32>
          %get3A_152 = arith.index_cast %add3A_128 : i32 to index
          %get3A_153 = arith.constant 16 : index
          %get3A_154 = tpu.vector_load %arg12[%get3A_152, %get3A_153] {strides = array<i32>} : memref<64x128xf32, #tpu.memory_space<vmem>>, vector<1x16xf32>,
          %get3A_155 = vector.shape_cast %get3A_154 : vector<1x16xf32> to vector<16xf32>
          %add3A_156 = arith.addf %get3A_151, %get3A_155 : vector<16xf32>
          %get3A_157 = arith.index_cast %add3A_128 : i32 to index
          %get3A_158 = arith.constant 16 : index
          %get3A_159 = tpu.vector_load %arg14[%get3A_157, %get3A_158] {strides = array<i32>} : memref<64x128xf32, #tpu.memory_space<vmem>>, vector<1x16xf32>,
          %get3A_160 = vector.shape_cast %get3A_159 : vector<1x16xf32> to vector<16xf32>
          %add3A_161 = arith.addf %add3A_156, %get3A_160 : vector<16xf32>
          %max3A_162 = arith.constant 0.000000e+00 : f32
          %max3A_163 = vector.broadcast %max3A_162 : f32 to vector<16xf32>
          %max3A_164 = arith.maximumf %add3A_161, %max3A_163 : vector<16xf32>
          %swap3A_165 = arith.index_cast %add3A_128 : i32 to index
          %swap3A_166 = arith.constant 16 : index
          %swap3A_167 = tpu.vector_load %arg14[%swap3A_165, %swap3A_166] {strides = array<i32>} : memref<64x128xf32, #tpu.memory_space<vmem>>, vector<1x16xf32>,
          %swap3A_168 = vector.shape_cast %swap3A_167 : vector<1x16xf32> to vector<16xf32>
          %swap3A_169 = vector.shape_cast %max3A_164 : vector<16xf32> to vector<1x16xf32>
          tpu.vector_store %arg14[%swap3A_165, %swap3A_166], %swap3A_169 {strides = array<i32>} : memref<64x128xf32, #tpu.memory_space<vmem>>, vector<1x16xf32>,
          %get3A_170 = arith.index_cast %add3A_128 : i32 to index
          %get3A_171 = arith.constant 32 : index
          %get3A_172 = tpu.vector_load %arg10[%get3A_170, %get3A_171] {strides = array<i32>} : memref<64x128xf32, #tpu.memory_space<vmem>>, vector<1x16xf32>,
          %get3A_173 = vector.shape_cast %get3A_172 : vector<1x16xf32> to vector<16xf32>
          %get3A_174 = arith.index_cast %add3A_128 : i32 to index
          %get3A_175 = arith.constant 32 : index
          %get3A_176 = tpu.vector_load %arg12[%get3A_174, %get3A_175] {strides = array<i32>} : memref<64x128xf32, #tpu.memory_space<vmem>>, vector<1x16xf32>,
          %get3A_177 = vector.shape_cast %get3A_176 : vector<1x16xf32> to vector<16xf32>
          %add3A_178 = arith.addf %get3A_173, %get3A_177 : vector<16xf32>
          %get3A_179 = arith.index_cast %add3A_128 : i32 to index
          %get3A_180 = arith.constant 32 : index
          %get3A_181 = tpu.vector_load %arg14[%get3A_179, %get3A_180] {strides = array<i32>} : memref<64x128xf32, #tpu.memory_space<vmem>>, vector<1x16xf32>,
          %get3A_182 = vector.shape_cast %get3A_181 : vector<1x16xf32> to vector<16xf32>
          %add3A_183 = arith.addf %add3A_178, %get3A_182 : vector<16xf32>
          %max3A_184 = arith.constant 0.000000e+00 : f32
          %max3A_185 = vector.broadcast %max3A_184 : f32 to vector<16xf32>
          %max3A_186 = arith.maximumf %add3A_183, %max3A_185 : vector<16xf32>
          %swap3A_187 = arith.index_cast %add3A_128 : i32 to index
          %swap3A_188 = arith.constant 32 : index
          %swap3A_189 = tpu.vector_load %arg14[%swap3A_187, %swap3A_188] {strides = array<i32>} : memref<64x128xf32, #tpu.memory_space<vmem>>, vector<1x16xf32>,
          %swap3A_190 = vector.shape_cast %swap3A_189 : vector<1x16xf32> to vector<16xf32>
          %swap3A_191 = vector.shape_cast %max3A_186 : vector<16xf32> to vector<1x16xf32>
          tpu.vector_store %arg14[%swap3A_187, %swap3A_188], %swap3A_191 {strides = array<i32>} : memref<64x128xf32, #tpu.memory_space<vmem>>, vector<1x16xf32>,
          %get3A_192 = arith.index_cast %add3A_128 : i32 to index
          %get3A_193 = arith.constant 48 : index
          %get3A_194 = tpu.vector_load %arg10[%get3A_192, %get3A_193] {strides = array<i32>} : memref<64x128xf32, #tpu.memory_space<vmem>>, vector<1x16xf32>,
          %get3A_195 = vector.shape_cast %get3A_194 : vector<1x16xf32> to vector<16xf32>
          %get3A_196 = arith.index_cast %add3A_128 : i32 to index
          %get3A_197 = arith.constant 48 : index
          %get3A_198 = tpu.vector_load %arg12[%get3A_196, %get3A_197] {strides = array<i32>} : memref<64x128xf32, #tpu.memory_space<vmem>>, vector<1x16xf32>,
          %get3A_199 = vector.shape_cast %get3A_198 : vector<1x16xf32> to vector<16xf32>
          %add3A_200 = arith.addf %get3A_195, %get3A_199 : vector<16xf32>
          %get3A_201 = arith.index_cast %add3A_128 : i32 to index
          %get3A_202 = arith.constant 48 : index
          %get3A_203 = tpu.vector_load %arg14[%get3A_201, %get3A_202] {strides = array<i32>} : memref<64x128xf32, #tpu.memory_space<vmem>>, vector<1x16xf32>,
          %get3A_204 = vector.shape_cast %get3A_203 : vector<1x16xf32> to vector<16xf32>
          %add3A_205 = arith.addf %add3A_200, %get3A_204 : vector<16xf32>
          %max3A_206 = arith.constant 0.000000e+00 : f32
          %max3A_207 = vector.broadcast %max3A_206 : f32 to vector<16xf32>
          %max3A_208 = arith.maximumf %add3A_205, %max3A_207 : vector<16xf32>
          %swap3A_209 = arith.index_cast %add3A_128 : i32 to index
          %swap3A_210 = arith.constant 48 : index
          %swap3A_211 = tpu.vector_load %arg14[%swap3A_209, %swap3A_210] {strides = array<i32>} : memref<64x128xf32, #tpu.memory_space<vmem>>, vector<1x16xf32>,
          %swap3A_212 = vector.shape_cast %swap3A_211 : vector<1x16xf32> to vector<16xf32>
          %swap3A_213 = vector.shape_cast %max3A_208 : vector<16xf32> to vector<1x16xf32>
          tpu.vector_store %arg14[%swap3A_209, %swap3A_210], %swap3A_213 {strides = array<i32>} : memref<64x128xf32, #tpu.memory_space<vmem>>, vector<1x16xf32>,
          %get3A_214 = arith.index_cast %add3A_128 : i32 to index
          %get3A_215 = arith.constant 64 : index
          %get3A_216 = tpu.vector_load %arg10[%get3A_214, %get3A_215] {strides = array<i32>} : memref<64x128xf32, #tpu.memory_space<vmem>>, vector<1x16xf32>,
          %get3A_217 = vector.shape_cast %get3A_216 : vector<1x16xf32> to vector<16xf32>
          %get3A_218 = arith.index_cast %add3A_128 : i32 to index
          %get3A_219 = arith.constant 64 : index
          %get3A_220 = tpu.vector_load %arg12[%get3A_218, %get3A_219] {strides = array<i32>} : memref<64x128xf32, #tpu.memory_space<vmem>>, vector<1x16xf32>,
          %get3A_221 = vector.shape_cast %get3A_220 : vector<1x16xf32> to vector<16xf32>
          %add3A_222 = arith.addf %get3A_217, %get3A_221 : vector<16xf32>
          %get3A_223 = arith.index_cast %add3A_128 : i32 to index
          %get3A_224 = arith.constant 64 : index
          %get3A_225 = tpu.vector_load %arg14[%get3A_223, %get3A_224] {strides = array<i32>} : memref<64x128xf32, #tpu.memory_space<vmem>>, vector<1x16xf32>,
          %get3A_226 = vector.shape_cast %get3A_225 : vector<1x16xf32> to vector<16xf32>
          %add3A_227 = arith.addf %add3A_222, %get3A_226 : vector<16xf32>
          %max3A_228 = arith.constant 0.000000e+00 : f32
          %max3A_229 = vector.broadcast %max3A_228 : f32 to vector<16xf32>
          %max3A_230 = arith.maximumf %add3A_227, %max3A_229 : vector<16xf32>
          %swap3A_231 = arith.index_cast %add3A_128 : i32 to index
          %swap3A_232 = arith.constant 64 : index
          %swap3A_233 = tpu.vector_load %arg14[%swap3A_231, %swap3A_232] {strides = array<i32>} : memref<64x128xf32, #tpu.memory_space<vmem>>, vector<1x16xf32>,
          %swap3A_234 = vector.shape_cast %swap3A_233 : vector<1x16xf32> to vector<16xf32>
          %swap3A_235 = vector.shape_cast %max3A_230 : vector<16xf32> to vector<1x16xf32>
          tpu.vector_store %arg14[%swap3A_231, %swap3A_232], %swap3A_235 {strides = array<i32>} : memref<64x128xf32, #tpu.memory_space<vmem>>, vector<1x16xf32>,
          %get3A_236 = arith.index_cast %add3A_128 : i32 to index
          %get3A_237 = arith.constant 80 : index
          %get3A_238 = tpu.vector_load %arg10[%get3A_236, %get3A_237] {strides = array<i32>} : memref<64x128xf32, #tpu.memory_space<vmem>>, vector<1x16xf32>,
          %get3A_239 = vector.shape_cast %get3A_238 : vector<1x16xf32> to vector<16xf32>
          %get3A_240 = arith.index_cast %add3A_128 : i32 to index
          %get3A_241 = arith.constant 80 : index
          %get3A_242 = tpu.vector_load %arg12[%get3A_240, %get3A_241] {strides = array<i32>} : memref<64x128xf32, #tpu.memory_space<vmem>>, vector<1x16xf32>,
          %get3A_243 = vector.shape_cast %get3A_242 : vector<1x16xf32> to vector<16xf32>
          %add3A_244 = arith.addf %get3A_239, %get3A_243 : vector<16xf32>
          %get3A_245 = arith.index_cast %add3A_128 : i32 to index
          %get3A_246 = arith.constant 80 : index
          %get3A_247 = tpu.vector_load %arg14[%get3A_245, %get3A_246] {strides = array<i32>} : memref<64x128xf32, #tpu.memory_space<vmem>>, vector<1x16xf32>,
          %get3A_248 = vector.shape_cast %get3A_247 : vector<1x16xf32> to vector<16xf32>
          %add3A_249 = arith.addf %add3A_244, %get3A_248 : vector<16xf32>
          %max3A_250 = arith.constant 0.000000e+00 : f32
          %max3A_251 = vector.broadcast %max3A_250 : f32 to vector<16xf32>
          %max3A_252 = arith.maximumf %add3A_249, %max3A_251 : vector<16xf32>
          %swap3A_253 = arith.index_cast %add3A_128 : i32 to index
          %swap3A_254 = arith.constant 80 : index
          %swap3A_255 = tpu.vector_load %arg14[%swap3A_253, %swap3A_254] {strides = array<i32>} : memref<64x128xf32, #tpu.memory_space<vmem>>, vector<1x16xf32>,
          %swap3A_256 = vector.shape_cast %swap3A_255 : vector<1x16xf32> to vector<16xf32>
          %swap3A_257 = vector.shape_cast %max3A_252 : vector<16xf32> to vector<1x16xf32>
          tpu.vector_store %arg14[%swap3A_253, %swap3A_254], %swap3A_257 {strides = array<i32>} : memref<64x128xf32, #tpu.memory_space<vmem>>, vector<1x16xf32>,
          %get3A_258 = arith.index_cast %add3A_128 : i32 to index
          %get3A_259 = arith.constant 96 : index
          %get3A_260 = tpu.vector_load %arg10[%get3A_258, %get3A_259] {strides = array<i32>} : memref<64x128xf32, #tpu.memory_space<vmem>>, vector<1x16xf32>,
          %get3A_261 = vector.shape_cast %get3A_260 : vector<1x16xf32> to vector<16xf32>
          %get3A_262 = arith.index_cast %add3A_128 : i32 to index
          %get3A_263 = arith.constant 96 : index
          %get3A_264 = tpu.vector_load %arg12[%get3A_262, %get3A_263] {strides = array<i32>} : memref<64x128xf32, #tpu.memory_space<vmem>>, vector<1x16xf32>,
          %get3A_265 = vector.shape_cast %get3A_264 : vector<1x16xf32> to vector<16xf32>
          %add3A_266 = arith.addf %get3A_261, %get3A_265 : vector<16xf32>
          %get3A_267 = arith.index_cast %add3A_128 : i32 to index
          %get3A_268 = arith.constant 96 : index
          %get3A_269 = tpu.vector_load %arg14[%get3A_267, %get3A_268] {strides = array<i32>} : memref<64x128xf32, #tpu.memory_space<vmem>>, vector<1x16xf32>,
          %get3A_270 = vector.shape_cast %get3A_269 : vector<1x16xf32> to vector<16xf32>
          %add3A_271 = arith.addf %add3A_266, %get3A_270 : vector<16xf32>
          %max3A_272 = arith.constant 0.000000e+00 : f32
          %max3A_273 = vector.broadcast %max3A_272 : f32 to vector<16xf32>
          %max3A_274 = arith.maximumf %add3A_271, %max3A_273 : vector<16xf32>
          %swap3A_275 = arith.index_cast %add3A_128 : i32 to index
          %swap3A_276 = arith.constant 96 : index
          %swap3A_277 = tpu.vector_load %arg14[%swap3A_275, %swap3A_276] {strides = array<i32>} : memref<64x128xf32, #tpu.memory_space<vmem>>, vector<1x16xf32>,
          %swap3A_278 = vector.shape_cast %swap3A_277 : vector<1x16xf32> to vector<16xf32>
          %swap3A_279 = vector.shape_cast %max3A_274 : vector<16xf32> to vector<1x16xf32>
          tpu.vector_store %arg14[%swap3A_275, %swap3A_276], %swap3A_279 {strides = array<i32>} : memref<64x128xf32, #tpu.memory_space<vmem>>, vector<1x16xf32>,
          %get3A_280 = arith.index_cast %add3A_128 : i32 to index
          %get3A_281 = arith.constant 112 : index
          %get3A_282 = tpu.vector_load %arg10[%get3A_280, %get3A_281] {strides = array<i32>} : memref<64x128xf32, #tpu.memory_space<vmem>>, vector<1x16xf32>,
          %get3A_283 = vector.shape_cast %get3A_282 : vector<1x16xf32> to vector<16xf32>
          %get3A_284 = arith.index_cast %add3A_128 : i32 to index
          %get3A_285 = arith.constant 112 : index
          %get3A_286 = tpu.vector_load %arg12[%get3A_284, %get3A_285] {strides = array<i32>} : memref<64x128xf32, #tpu.memory_space<vmem>>, vector<1x16xf32>,
          %get3A_287 = vector.shape_cast %get3A_286 : vector<1x16xf32> to vector<16xf32>
          %add3A_288 = arith.addf %get3A_283, %get3A_287 : vector<16xf32>
          %get3A_289 = arith.index_cast %add3A_128 : i32 to index
          %get3A_290 = arith.constant 112 : index
          %get3A_291 = tpu.vector_load %arg14[%get3A_289, %get3A_290] {strides = array<i32>} : memref<64x128xf32, #tpu.memory_space<vmem>>, vector<1x16xf32>,
          %get3A_292 = vector.shape_cast %get3A_291 : vector<1x16xf32> to vector<16xf32>
          %add3A_293 = arith.addf %add3A_288, %get3A_292 : vector<16xf32>
          %max3A_294 = arith.constant 0.000000e+00 : f32
          %max3A_295 = vector.broadcast %max3A_294 : f32 to vector<16xf32>
          %max3A_296 = arith.maximumf %add3A_293, %max3A_295 : vector<16xf32>
          %swap3A_297 = arith.index_cast %add3A_128 : i32 to index
          %swap3A_298 = arith.constant 112 : index
          %swap3A_299 = tpu.vector_load %arg14[%swap3A_297, %swap3A_298] {strides = array<i32>} : memref<64x128xf32, #tpu.memory_space<vmem>>, vector<1x16xf32>,
          %swap3A_300 = vector.shape_cast %swap3A_299 : vector<1x16xf32> to vector<16xf32>
          %swap3A_301 = vector.shape_cast %max3A_296 : vector<16xf32> to vector<1x16xf32>
          tpu.vector_store %arg14[%swap3A_297, %swap3A_298], %swap3A_301 {strides = array<i32>} : memref<64x128xf32, #tpu.memory_space<vmem>>, vector<1x16xf32>,
        }
        %scan3A_117 = arith.constant 64 : i32
        %dma_start3A = arith.constant 1 : i32
        %dma_start3A_118 = arith.constant 0 : i32
        %dma_start3A_119 = tpu.memref_slice %arg8[%dma_start3A, %dma_start3A_118] : memref<2x64xi32, #tpu.memory_space<vmem>> -> memref<1x64xi32, #tpu.memory_space<vmem>>
        %dma_start3A_120 = tpu.memref_squeeze %dma_start3A_119 : memref<1x64xi32, #tpu.memory_space<vmem>> -> memref<64xi32, #tpu.memory_space<vmem>>
        %dma_start3A_121 = arith.constant 0 : i32
        %dma_start3A_122 = arith.constant 0 : i32
        %dma_start3A_123 = tpu.memref_slice %arg23[%dma_start3A_121, %dma_start3A_122] : memref<10112x128xf32, #tpu.memory_space<vmem_shared>> -> memref<10112x128xf32, #tpu.memory_space<vmem_shared>>
        tpu.enqueue_indirect_dma source(%arg14 : memref<64x128xf32, #tpu.memory_space<vmem>>) target(%dma_start3A_123 : memref<10112x128xf32, #tpu.memory_space<vmem_shared>>) offsets(%dma_start3A_120 : memref<64xi32, #tpu.memory_space<vmem>>) semaphore(%arg22 : memref<!tpu.dma_semaphore, #tpu.memory_space<semaphore_mem>>) {add = true}
      } else {
      }
    }
    %scan3A_33 = arith.constant 78 : i32
    %add3A_34 = arith.constant 4992 : i32
    %add3A_35 = arith.addi %add3A, %add3A_34 : i32
    %lt3A_36 = arith.constant 5000 : i32
    %lt3A_37 = arith.cmpi slt, %add3A_35, %lt3A_36 : i32
    %convert_element_type3A_38 = arith.extui %lt3A_37 : i1 to i32
    %cond3A_39 = arith.constant 0 : i32
    %cond3A_40 = arith.cmpi ne, %convert_element_type3A_38, %cond3A_39 : i32
    scf.if %cond3A_40 {
      %dma_wait3A_57 = arith.constant 0 : i32
      %dma_wait3A_58 = arith.constant 0 : i32
      %dma_wait3A_59 = tpu.memref_slice %arg7[%dma_wait3A_57, %dma_wait3A_58] : memref<2x64xi32, #tpu.memory_space<vmem>> -> memref<1x64xi32, #tpu.memory_space<vmem>>
      %dma_wait3A_60 = tpu.memref_squeeze %dma_wait3A_59 : memref<1x64xi32, #tpu.memory_space<vmem>> -> memref<64xi32, #tpu.memory_space<vmem>>
      %dma_wait3A_61 = arith.constant 0 : i32
      %dma_wait3A_62 = arith.constant 0 : i32
      %dma_wait3A_63 = tpu.memref_slice %arg2[%dma_wait3A_61, %dma_wait3A_62] : memref<10000x128xf32, #tpu.memory_space<hbm>> -> memref<10000x128xf32, #tpu.memory_space<hbm>>
      tpu.wait_indirect_dma semaphore(%arg15 : memref<!tpu.dma_semaphore, #tpu.memory_space<semaphore_mem>>) src(%dma_wait3A_63 : memref<10000x128xf32, #tpu.memory_space<hbm>>) dst(%arg9 : memref<64x128xf32, #tpu.memory_space<vmem>>)
      %dma_wait3A_64 = arith.constant 1 : i32
      %dma_wait3A_65 = arith.constant 0 : i32
      %dma_wait3A_66 = tpu.memref_slice %arg7[%dma_wait3A_64, %dma_wait3A_65] : memref<2x64xi32, #tpu.memory_space<vmem>> -> memref<1x64xi32, #tpu.memory_space<vmem>>
      %dma_wait3A_67 = tpu.memref_squeeze %dma_wait3A_66 : memref<1x64xi32, #tpu.memory_space<vmem>> -> memref<64xi32, #tpu.memory_space<vmem>>
      %dma_wait3A_68 = arith.constant 0 : i32
      %dma_wait3A_69 = arith.constant 0 : i32
      %dma_wait3A_70 = tpu.memref_slice %arg3[%dma_wait3A_68, %dma_wait3A_69] : memref<10000x128xf32, #tpu.memory_space<hbm>> -> memref<10000x128xf32, #tpu.memory_space<hbm>>
      tpu.wait_indirect_dma semaphore(%arg17 : memref<!tpu.dma_semaphore, #tpu.memory_space<semaphore_mem>>) src(%dma_wait3A_70 : memref<10000x128xf32, #tpu.memory_space<hbm>>) dst(%arg11 : memref<64x128xf32, #tpu.memory_space<vmem>>)
      %mul3A_71 = arith.constant 64 : i32
      %mul3A_72 = arith.muli %add3A_35, %mul3A_71 : i32
      %dma_wait3A_73 = arith.constant 0 : i32
      %dma_wait3A_74 = tpu.memref_slice %arg4[%mul3A_72, %dma_wait3A_73] : memref<320000x128xf32, #tpu.memory_space<hbm>> -> memref<64x128xf32, #tpu.memory_space<hbm>>
      %dma_wait3A_75 = arith.constant 0 : i32
      %dma_wait3A_76 = tpu.memref_slice %arg4[%mul3A_72, %dma_wait3A_75] : memref<320000x128xf32, #tpu.memory_space<hbm>> -> memref<64x128xf32, #tpu.memory_space<hbm>>
      tpu.wait_dma2 semaphore(%arg19 : memref<!tpu.dma_semaphore, #tpu.memory_space<semaphore_mem>>) src(%dma_wait3A_76 : memref<64x128xf32, #tpu.memory_space<hbm>>) dst(%arg13 : memref<64x128xf32, #tpu.memory_space<vmem>>)
      %scan3A_77 = arith.constant 0 : i32
      %scan3A_78 = arith.constant 64 : i32
      %scan3A_79 = arith.addi %scan3A_77, %scan3A_78 : i32
      %scan3A_80 = arith.constant 1 : i32
      scf.for %scan3A_88 = %scan3A_77 to %scan3A_79 step %scan3A_80  : i32 {
        %mul3A_89 = arith.constant 1 : i32
        %mul3A_90 = arith.muli %scan3A_88, %mul3A_89 : i32
        %add3A_91 = arith.constant 0 : i32
        %add3A_92 = arith.addi %add3A_91, %mul3A_90 : i32
        %get3A = arith.index_cast %add3A_92 : i32 to index
        %get3A_93 = arith.constant 0 : index
        %get3A_94 = tpu.vector_load %arg9[%get3A, %get3A_93] {strides = array<i32>} : memref<64x128xf32, #tpu.memory_space<vmem>>, vector<1x16xf32>,
        %get3A_95 = vector.shape_cast %get3A_94 : vector<1x16xf32> to vector<16xf32>
        %get3A_96 = arith.index_cast %add3A_92 : i32 to index
        %get3A_97 = arith.constant 0 : index
        %get3A_98 = tpu.vector_load %arg11[%get3A_96, %get3A_97] {strides = array<i32>} : memref<64x128xf32, #tpu.memory_space<vmem>>, vector<1x16xf32>,
        %get3A_99 = vector.shape_cast %get3A_98 : vector<1x16xf32> to vector<16xf32>
        %add3A_100 = arith.addf %get3A_95, %get3A_99 : vector<16xf32>
        %get3A_101 = arith.index_cast %add3A_92 : i32 to index
        %get3A_102 = arith.constant 0 : index
        %get3A_103 = tpu.vector_load %arg13[%get3A_101, %get3A_102] {strides = array<i32>} : memref<64x128xf32, #tpu.memory_space<vmem>>, vector<1x16xf32>,
        %get3A_104 = vector.shape_cast %get3A_103 : vector<1x16xf32> to vector<16xf32>
        %add3A_105 = arith.addf %add3A_100, %get3A_104 : vector<16xf32>
        %max3A = arith.constant 0.000000e+00 : f32
        %max3A_106 = vector.broadcast %max3A : f32 to vector<16xf32>
        %max3A_107 = arith.maximumf %add3A_105, %max3A_106 : vector<16xf32>
        %swap3A = arith.index_cast %add3A_92 : i32 to index
        %swap3A_108 = arith.constant 0 : index
        %swap3A_109 = tpu.vector_load %arg13[%swap3A, %swap3A_108] {strides = array<i32>} : memref<64x128xf32, #tpu.memory_space<vmem>>, vector<1x16xf32>,
        %swap3A_110 = vector.shape_cast %swap3A_109 : vector<1x16xf32> to vector<16xf32>
        %swap3A_111 = vector.shape_cast %max3A_107 : vector<16xf32> to vector<1x16xf32>
        tpu.vector_store %arg13[%swap3A, %swap3A_108], %swap3A_111 {strides = array<i32>} : memref<64x128xf32, #tpu.memory_space<vmem>>, vector<1x16xf32>,
        %get3A_112 = arith.index_cast %add3A_92 : i32 to index
        %get3A_113 = arith.constant 16 : index
        %get3A_114 = tpu.vector_load %arg9[%get3A_112, %get3A_113] {strides = array<i32>} : memref<64x128xf32, #tpu.memory_space<vmem>>, vector<1x16xf32>,
        %get3A_115 = vector.shape_cast %get3A_114 : vector<1x16xf32> to vector<16xf32>
        %get3A_116 = arith.index_cast %add3A_92 : i32 to index
        %get3A_117 = arith.constant 16 : index
        %get3A_118 = tpu.vector_load %arg11[%get3A_116, %get3A_117] {strides = array<i32>} : memref<64x128xf32, #tpu.memory_space<vmem>>, vector<1x16xf32>,
        %get3A_119 = vector.shape_cast %get3A_118 : vector<1x16xf32> to vector<16xf32>
        %add3A_120 = arith.addf %get3A_115, %get3A_119 : vector<16xf32>
        %get3A_121 = arith.index_cast %add3A_92 : i32 to index
        %get3A_122 = arith.constant 16 : index
        %get3A_123 = tpu.vector_load %arg13[%get3A_121, %get3A_122] {strides = array<i32>} : memref<64x128xf32, #tpu.memory_space<vmem>>, vector<1x16xf32>,
        %get3A_124 = vector.shape_cast %get3A_123 : vector<1x16xf32> to vector<16xf32>
        %add3A_125 = arith.addf %add3A_120, %get3A_124 : vector<16xf32>
        %max3A_126 = arith.constant 0.000000e+00 : f32
        %max3A_127 = vector.broadcast %max3A_126 : f32 to vector<16xf32>
        %max3A_128 = arith.maximumf %add3A_125, %max3A_127 : vector<16xf32>
        %swap3A_129 = arith.index_cast %add3A_92 : i32 to index
        %swap3A_130 = arith.constant 16 : index
        %swap3A_131 = tpu.vector_load %arg13[%swap3A_129, %swap3A_130] {strides = array<i32>} : memref<64x128xf32, #tpu.memory_space<vmem>>, vector<1x16xf32>,
        %swap3A_132 = vector.shape_cast %swap3A_131 : vector<1x16xf32> to vector<16xf32>
        %swap3A_133 = vector.shape_cast %max3A_128 : vector<16xf32> to vector<1x16xf32>
        tpu.vector_store %arg13[%swap3A_129, %swap3A_130], %swap3A_133 {strides = array<i32>} : memref<64x128xf32, #tpu.memory_space<vmem>>, vector<1x16xf32>,
        %get3A_134 = arith.index_cast %add3A_92 : i32 to index
        %get3A_135 = arith.constant 32 : index
        %get3A_136 = tpu.vector_load %arg9[%get3A_134, %get3A_135] {strides = array<i32>} : memref<64x128xf32, #tpu.memory_space<vmem>>, vector<1x16xf32>,
        %get3A_137 = vector.shape_cast %get3A_136 : vector<1x16xf32> to vector<16xf32>
        %get3A_138 = arith.index_cast %add3A_92 : i32 to index
        %get3A_139 = arith.constant 32 : index
        %get3A_140 = tpu.vector_load %arg11[%get3A_138, %get3A_139] {strides = array<i32>} : memref<64x128xf32, #tpu.memory_space<vmem>>, vector<1x16xf32>,
        %get3A_141 = vector.shape_cast %get3A_140 : vector<1x16xf32> to vector<16xf32>
        %add3A_142 = arith.addf %get3A_137, %get3A_141 : vector<16xf32>
        %get3A_143 = arith.index_cast %add3A_92 : i32 to index
        %get3A_144 = arith.constant 32 : index
        %get3A_145 = tpu.vector_load %arg13[%get3A_143, %get3A_144] {strides = array<i32>} : memref<64x128xf32, #tpu.memory_space<vmem>>, vector<1x16xf32>,
        %get3A_146 = vector.shape_cast %get3A_145 : vector<1x16xf32> to vector<16xf32>
        %add3A_147 = arith.addf %add3A_142, %get3A_146 : vector<16xf32>
        %max3A_148 = arith.constant 0.000000e+00 : f32
        %max3A_149 = vector.broadcast %max3A_148 : f32 to vector<16xf32>
        %max3A_150 = arith.maximumf %add3A_147, %max3A_149 : vector<16xf32>
        %swap3A_151 = arith.index_cast %add3A_92 : i32 to index
        %swap3A_152 = arith.constant 32 : index
        %swap3A_153 = tpu.vector_load %arg13[%swap3A_151, %swap3A_152] {strides = array<i32>} : memref<64x128xf32, #tpu.memory_space<vmem>>, vector<1x16xf32>,
        %swap3A_154 = vector.shape_cast %swap3A_153 : vector<1x16xf32> to vector<16xf32>
        %swap3A_155 = vector.shape_cast %max3A_150 : vector<16xf32> to vector<1x16xf32>
        tpu.vector_store %arg13[%swap3A_151, %swap3A_152], %swap3A_155 {strides = array<i32>} : memref<64x128xf32, #tpu.memory_space<vmem>>, vector<1x16xf32>,
        %get3A_156 = arith.index_cast %add3A_92 : i32 to index
        %get3A_157 = arith.constant 48 : index
        %get3A_158 = tpu.vector_load %arg9[%get3A_156, %get3A_157] {strides = array<i32>} : memref<64x128xf32, #tpu.memory_space<vmem>>, vector<1x16xf32>,
        %get3A_159 = vector.shape_cast %get3A_158 : vector<1x16xf32> to vector<16xf32>
        %get3A_160 = arith.index_cast %add3A_92 : i32 to index
        %get3A_161 = arith.constant 48 : index
        %get3A_162 = tpu.vector_load %arg11[%get3A_160, %get3A_161] {strides = array<i32>} : memref<64x128xf32, #tpu.memory_space<vmem>>, vector<1x16xf32>,
        %get3A_163 = vector.shape_cast %get3A_162 : vector<1x16xf32> to vector<16xf32>
        %add3A_164 = arith.addf %get3A_159, %get3A_163 : vector<16xf32>
        %get3A_165 = arith.index_cast %add3A_92 : i32 to index
        %get3A_166 = arith.constant 48 : index
        %get3A_167 = tpu.vector_load %arg13[%get3A_165, %get3A_166] {strides = array<i32>} : memref<64x128xf32, #tpu.memory_space<vmem>>, vector<1x16xf32>,
        %get3A_168 = vector.shape_cast %get3A_167 : vector<1x16xf32> to vector<16xf32>
        %add3A_169 = arith.addf %add3A_164, %get3A_168 : vector<16xf32>
        %max3A_170 = arith.constant 0.000000e+00 : f32
        %max3A_171 = vector.broadcast %max3A_170 : f32 to vector<16xf32>
        %max3A_172 = arith.maximumf %add3A_169, %max3A_171 : vector<16xf32>
        %swap3A_173 = arith.index_cast %add3A_92 : i32 to index
        %swap3A_174 = arith.constant 48 : index
        %swap3A_175 = tpu.vector_load %arg13[%swap3A_173, %swap3A_174] {strides = array<i32>} : memref<64x128xf32, #tpu.memory_space<vmem>>, vector<1x16xf32>,
        %swap3A_176 = vector.shape_cast %swap3A_175 : vector<1x16xf32> to vector<16xf32>
        %swap3A_177 = vector.shape_cast %max3A_172 : vector<16xf32> to vector<1x16xf32>
        tpu.vector_store %arg13[%swap3A_173, %swap3A_174], %swap3A_177 {strides = array<i32>} : memref<64x128xf32, #tpu.memory_space<vmem>>, vector<1x16xf32>,
        %get3A_178 = arith.index_cast %add3A_92 : i32 to index
        %get3A_179 = arith.constant 64 : index
        %get3A_180 = tpu.vector_load %arg9[%get3A_178, %get3A_179] {strides = array<i32>} : memref<64x128xf32, #tpu.memory_space<vmem>>, vector<1x16xf32>,
        %get3A_181 = vector.shape_cast %get3A_180 : vector<1x16xf32> to vector<16xf32>
        %get3A_182 = arith.index_cast %add3A_92 : i32 to index
        %get3A_183 = arith.constant 64 : index
        %get3A_184 = tpu.vector_load %arg11[%get3A_182, %get3A_183] {strides = array<i32>} : memref<64x128xf32, #tpu.memory_space<vmem>>, vector<1x16xf32>,
        %get3A_185 = vector.shape_cast %get3A_184 : vector<1x16xf32> to vector<16xf32>
        %add3A_186 = arith.addf %get3A_181, %get3A_185 : vector<16xf32>
        %get3A_187 = arith.index_cast %add3A_92 : i32 to index
        %get3A_188 = arith.constant 64 : index
        %get3A_189 = tpu.vector_load %arg13[%get3A_187, %get3A_188] {strides = array<i32>} : memref<64x128xf32, #tpu.memory_space<vmem>>, vector<1x16xf32>,
        %get3A_190 = vector.shape_cast %get3A_189 : vector<1x16xf32> to vector<16xf32>
        %add3A_191 = arith.addf %add3A_186, %get3A_190 : vector<16xf32>
        %max3A_192 = arith.constant 0.000000e+00 : f32
        %max3A_193 = vector.broadcast %max3A_192 : f32 to vector<16xf32>
        %max3A_194 = arith.maximumf %add3A_191, %max3A_193 : vector<16xf32>
        %swap3A_195 = arith.index_cast %add3A_92 : i32 to index
        %swap3A_196 = arith.constant 64 : index
        %swap3A_197 = tpu.vector_load %arg13[%swap3A_195, %swap3A_196] {strides = array<i32>} : memref<64x128xf32, #tpu.memory_space<vmem>>, vector<1x16xf32>,
        %swap3A_198 = vector.shape_cast %swap3A_197 : vector<1x16xf32> to vector<16xf32>
        %swap3A_199 = vector.shape_cast %max3A_194 : vector<16xf32> to vector<1x16xf32>
        tpu.vector_store %arg13[%swap3A_195, %swap3A_196], %swap3A_199 {strides = array<i32>} : memref<64x128xf32, #tpu.memory_space<vmem>>, vector<1x16xf32>,
        %get3A_200 = arith.index_cast %add3A_92 : i32 to index
        %get3A_201 = arith.constant 80 : index
        %get3A_202 = tpu.vector_load %arg9[%get3A_200, %get3A_201] {strides = array<i32>} : memref<64x128xf32, #tpu.memory_space<vmem>>, vector<1x16xf32>,
        %get3A_203 = vector.shape_cast %get3A_202 : vector<1x16xf32> to vector<16xf32>
        %get3A_204 = arith.index_cast %add3A_92 : i32 to index
        %get3A_205 = arith.constant 80 : index
        %get3A_206 = tpu.vector_load %arg11[%get3A_204, %get3A_205] {strides = array<i32>} : memref<64x128xf32, #tpu.memory_space<vmem>>, vector<1x16xf32>,
        %get3A_207 = vector.shape_cast %get3A_206 : vector<1x16xf32> to vector<16xf32>
        %add3A_208 = arith.addf %get3A_203, %get3A_207 : vector<16xf32>
        %get3A_209 = arith.index_cast %add3A_92 : i32 to index
        %get3A_210 = arith.constant 80 : index
        %get3A_211 = tpu.vector_load %arg13[%get3A_209, %get3A_210] {strides = array<i32>} : memref<64x128xf32, #tpu.memory_space<vmem>>, vector<1x16xf32>,
        %get3A_212 = vector.shape_cast %get3A_211 : vector<1x16xf32> to vector<16xf32>
        %add3A_213 = arith.addf %add3A_208, %get3A_212 : vector<16xf32>
        %max3A_214 = arith.constant 0.000000e+00 : f32
        %max3A_215 = vector.broadcast %max3A_214 : f32 to vector<16xf32>
        %max3A_216 = arith.maximumf %add3A_213, %max3A_215 : vector<16xf32>
        %swap3A_217 = arith.index_cast %add3A_92 : i32 to index
        %swap3A_218 = arith.constant 80 : index
        %swap3A_219 = tpu.vector_load %arg13[%swap3A_217, %swap3A_218] {strides = array<i32>} : memref<64x128xf32, #tpu.memory_space<vmem>>, vector<1x16xf32>,
        %swap3A_220 = vector.shape_cast %swap3A_219 : vector<1x16xf32> to vector<16xf32>
        %swap3A_221 = vector.shape_cast %max3A_216 : vector<16xf32> to vector<1x16xf32>
        tpu.vector_store %arg13[%swap3A_217, %swap3A_218], %swap3A_221 {strides = array<i32>} : memref<64x128xf32, #tpu.memory_space<vmem>>, vector<1x16xf32>,
        %get3A_222 = arith.index_cast %add3A_92 : i32 to index
        %get3A_223 = arith.constant 96 : index
        %get3A_224 = tpu.vector_load %arg9[%get3A_222, %get3A_223] {strides = array<i32>} : memref<64x128xf32, #tpu.memory_space<vmem>>, vector<1x16xf32>,
        %get3A_225 = vector.shape_cast %get3A_224 : vector<1x16xf32> to vector<16xf32>
        %get3A_226 = arith.index_cast %add3A_92 : i32 to index
        %get3A_227 = arith.constant 96 : index
        %get3A_228 = tpu.vector_load %arg11[%get3A_226, %get3A_227] {strides = array<i32>} : memref<64x128xf32, #tpu.memory_space<vmem>>, vector<1x16xf32>,
        %get3A_229 = vector.shape_cast %get3A_228 : vector<1x16xf32> to vector<16xf32>
        %add3A_230 = arith.addf %get3A_225, %get3A_229 : vector<16xf32>
        %get3A_231 = arith.index_cast %add3A_92 : i32 to index
        %get3A_232 = arith.constant 96 : index
        %get3A_233 = tpu.vector_load %arg13[%get3A_231, %get3A_232] {strides = array<i32>} : memref<64x128xf32, #tpu.memory_space<vmem>>, vector<1x16xf32>,
        %get3A_234 = vector.shape_cast %get3A_233 : vector<1x16xf32> to vector<16xf32>
        %add3A_235 = arith.addf %add3A_230, %get3A_234 : vector<16xf32>
        %max3A_236 = arith.constant 0.000000e+00 : f32
        %max3A_237 = vector.broadcast %max3A_236 : f32 to vector<16xf32>
        %max3A_238 = arith.maximumf %add3A_235, %max3A_237 : vector<16xf32>
        %swap3A_239 = arith.index_cast %add3A_92 : i32 to index
        %swap3A_240 = arith.constant 96 : index
        %swap3A_241 = tpu.vector_load %arg13[%swap3A_239, %swap3A_240] {strides = array<i32>} : memref<64x128xf32, #tpu.memory_space<vmem>>, vector<1x16xf32>,
        %swap3A_242 = vector.shape_cast %swap3A_241 : vector<1x16xf32> to vector<16xf32>
        %swap3A_243 = vector.shape_cast %max3A_238 : vector<16xf32> to vector<1x16xf32>
        tpu.vector_store %arg13[%swap3A_239, %swap3A_240], %swap3A_243 {strides = array<i32>} : memref<64x128xf32, #tpu.memory_space<vmem>>, vector<1x16xf32>,
        %get3A_244 = arith.index_cast %add3A_92 : i32 to index
        %get3A_245 = arith.constant 112 : index
        %get3A_246 = tpu.vector_load %arg9[%get3A_244, %get3A_245] {strides = array<i32>} : memref<64x128xf32, #tpu.memory_space<vmem>>, vector<1x16xf32>,
        %get3A_247 = vector.shape_cast %get3A_246 : vector<1x16xf32> to vector<16xf32>
        %get3A_248 = arith.index_cast %add3A_92 : i32 to index
        %get3A_249 = arith.constant 112 : index
        %get3A_250 = tpu.vector_load %arg11[%get3A_248, %get3A_249] {strides = array<i32>} : memref<64x128xf32, #tpu.memory_space<vmem>>, vector<1x16xf32>,
        %get3A_251 = vector.shape_cast %get3A_250 : vector<1x16xf32> to vector<16xf32>
        %add3A_252 = arith.addf %get3A_247, %get3A_251 : vector<16xf32>
        %get3A_253 = arith.index_cast %add3A_92 : i32 to index
        %get3A_254 = arith.constant 112 : index
        %get3A_255 = tpu.vector_load %arg13[%get3A_253, %get3A_254] {strides = array<i32>} : memref<64x128xf32, #tpu.memory_space<vmem>>, vector<1x16xf32>,
        %get3A_256 = vector.shape_cast %get3A_255 : vector<1x16xf32> to vector<16xf32>
        %add3A_257 = arith.addf %add3A_252, %get3A_256 : vector<16xf32>
        %max3A_258 = arith.constant 0.000000e+00 : f32
        %max3A_259 = vector.broadcast %max3A_258 : f32 to vector<16xf32>
        %max3A_260 = arith.maximumf %add3A_257, %max3A_259 : vector<16xf32>
        %swap3A_261 = arith.index_cast %add3A_92 : i32 to index
        %swap3A_262 = arith.constant 112 : index
        %swap3A_263 = tpu.vector_load %arg13[%swap3A_261, %swap3A_262] {strides = array<i32>} : memref<64x128xf32, #tpu.memory_space<vmem>>, vector<1x16xf32>,
        %swap3A_264 = vector.shape_cast %swap3A_263 : vector<1x16xf32> to vector<16xf32>
        %swap3A_265 = vector.shape_cast %max3A_260 : vector<16xf32> to vector<1x16xf32>
        tpu.vector_store %arg13[%swap3A_261, %swap3A_262], %swap3A_265 {strides = array<i32>} : memref<64x128xf32, #tpu.memory_space<vmem>>, vector<1x16xf32>,
      }
      %scan3A_81 = arith.constant 64 : i32
      %dma_start3A = arith.constant 1 : i32
      %dma_start3A_82 = arith.constant 0 : i32
      %dma_start3A_83 = tpu.memref_slice %arg7[%dma_start3A, %dma_start3A_82] : memref<2x64xi32, #tpu.memory_space<vmem>> -> memref<1x64xi32, #tpu.memory_space<vmem>>
      %dma_start3A_84 = tpu.memref_squeeze %dma_start3A_83 : memref<1x64xi32, #tpu.memory_space<vmem>> -> memref<64xi32, #tpu.memory_space<vmem>>
      %dma_start3A_85 = arith.constant 0 : i32
      %dma_start3A_86 = arith.constant 0 : i32
      %dma_start3A_87 = tpu.memref_slice %arg23[%dma_start3A_85, %dma_start3A_86] : memref<10112x128xf32, #tpu.memory_space<vmem_shared>> -> memref<10112x128xf32, #tpu.memory_space<vmem_shared>>
      tpu.enqueue_indirect_dma source(%arg13 : memref<64x128xf32, #tpu.memory_space<vmem>>) target(%dma_start3A_87 : memref<10112x128xf32, #tpu.memory_space<vmem_shared>>) offsets(%dma_start3A_84 : memref<64xi32, #tpu.memory_space<vmem>>) semaphore(%arg21 : memref<!tpu.dma_semaphore, #tpu.memory_space<semaphore_mem>>) {add = true}
    } else {
    }
    %dma_wait3A = arith.constant 1 : i32
    %dma_wait3A_41 = arith.constant 0 : i32
    %dma_wait3A_42 = tpu.memref_slice %arg7[%dma_wait3A, %dma_wait3A_41] : memref<2x64xi32, #tpu.memory_space<vmem>> -> memref<1x64xi32, #tpu.memory_space<vmem>>
    %dma_wait3A_43 = tpu.memref_squeeze %dma_wait3A_42 : memref<1x64xi32, #tpu.memory_space<vmem>> -> memref<64xi32, #tpu.memory_space<vmem>>
    %dma_wait3A_44 = arith.constant 0 : i32
    %dma_wait3A_45 = arith.constant 0 : i32
    %dma_wait3A_46 = tpu.memref_slice %arg23[%dma_wait3A_44, %dma_wait3A_45] : memref<10112x128xf32, #tpu.memory_space<vmem_shared>> -> memref<10112x128xf32, #tpu.memory_space<vmem_shared>>
    tpu.wait_indirect_dma semaphore(%arg21 : memref<!tpu.dma_semaphore, #tpu.memory_space<semaphore_mem>>) src(%arg13 : memref<64x128xf32, #tpu.memory_space<vmem>>) dst(%dma_wait3A_46 : memref<10112x128xf32, #tpu.memory_space<vmem_shared>>)
    %dma_wait3A_47 = arith.constant 1 : i32
    %dma_wait3A_48 = arith.constant 0 : i32
    %dma_wait3A_49 = tpu.memref_slice %arg8[%dma_wait3A_47, %dma_wait3A_48] : memref<2x64xi32, #tpu.memory_space<vmem>> -> memref<1x64xi32, #tpu.memory_space<vmem>>
    %dma_wait3A_50 = tpu.memref_squeeze %dma_wait3A_49 : memref<1x64xi32, #tpu.memory_space<vmem>> -> memref<64xi32, #tpu.memory_space<vmem>>
    %dma_wait3A_51 = arith.constant 0 : i32
    %dma_wait3A_52 = arith.constant 0 : i32
    %dma_wait3A_53 = tpu.memref_slice %arg23[%dma_wait3A_51, %dma_wait3A_52] : memref<10112x128xf32, #tpu.memory_space<vmem_shared>> -> memref<10112x128xf32, #tpu.memory_space<vmem_shared>>
    tpu.wait_indirect_dma semaphore(%arg22 : memref<!tpu.dma_semaphore, #tpu.memory_space<semaphore_mem>>) src(%arg14 : memref<64x128xf32, #tpu.memory_space<vmem>>) dst(%dma_wait3A_53 : memref<10112x128xf32, #tpu.memory_space<vmem_shared>>)
    %barrier3A_54 = arith.constant 0 : index
    tpu.barrier barrier_id(%barrier3A_54)
    %mul3A_55 = arith.constant 632 : i32
    %mul3A_56 = arith.muli %arg1, %mul3A_55 : i32
    "tpu.region"() ({
      %run_scoped3A = tpu.sem_alloc : memref<!tpu.dma_semaphore, #tpu.memory_space<semaphore_mem>>
      %dma_start3A = arith.constant 0 : i32
      %dma_start3A_57 = tpu.memref_slice %arg6[%arg0, %mul3A_56, %dma_start3A] : memref<2x10112x128xf32, #tpu.memory_space<hbm>> -> memref<1x632x128xf32, #tpu.memory_space<hbm>>
      %dma_start3A_58 = tpu.memref_squeeze %dma_start3A_57 : memref<1x632x128xf32, #tpu.memory_space<hbm>> -> memref<632x128xf32, #tpu.memory_space<hbm>>
      %dma_start3A_59 = arith.constant 0 : i32
      %dma_start3A_60 = tpu.memref_slice %arg23[%mul3A_56, %dma_start3A_59] : memref<10112x128xf32, #tpu.memory_space<vmem_shared>> -> memref<632x128xf32, #tpu.memory_space<vmem_shared>>
      tpu.enqueue_dma source(%dma_start3A_60 : memref<632x128xf32, #tpu.memory_space<vmem_shared>>) target(%dma_start3A_58 : memref<632x128xf32, #tpu.memory_space<hbm>>) target_semaphore(%run_scoped3A : memref<!tpu.dma_semaphore, #tpu.memory_space<semaphore_mem>>)
      %dma_wait3A_61 = arith.constant 0 : i32
      %dma_wait3A_62 = tpu.memref_slice %arg6[%arg0, %mul3A_56, %dma_wait3A_61] : memref<2x10112x128xf32, #tpu.memory_space<hbm>> -> memref<1x632x128xf32, #tpu.memory_space<hbm>>
      %dma_wait3A_63 = tpu.memref_squeeze %dma_wait3A_62 : memref<1x632x128xf32, #tpu.memory_space<hbm>> -> memref<632x128xf32, #tpu.memory_space<hbm>>
      %dma_wait3A_64 = arith.constant 0 : i32
      %dma_wait3A_65 = tpu.memref_slice %arg23[%mul3A_56, %dma_wait3A_64] : memref<10112x128xf32, #tpu.memory_space<vmem_shared>> -> memref<632x128xf32, #tpu.memory_space<vmem_shared>>
      tpu.wait_dma2 semaphore(%run_scoped3A : memref<!tpu.dma_semaphore, #tpu.memory_space<semaphore_mem>>) src(%dma_wait3A_65 : memref<632x128xf32, #tpu.memory_space<vmem_shared>>) dst(%dma_wait3A_63 : memref<632x128xf32, #tpu.memory_space<hbm>>)
      tpu.yield
    }) : () -> ()
    return
  }
}

module attributes {stable_mosaic.version = 14 : i64} {
  func.func @_edge_proj_body(%arg0: i32, %arg1: memref<4000x16xf32, #tpu.memory_space<vmem>>, %arg2: memref<16x128xf32, #tpu.memory_space<vmem>>, %arg3: memref<4000x128xf32, #tpu.memory_space<vmem>>) attributes {dimension_semantics = [#tpu.dimension_semantics<arbitrary>], iteration_bounds = array<i64: 80>, scalar_prefetch = 0 : i64, scratch_operands = 0 : i64, tpu.core_type = #tpu.core_type<tc>, window_params = [{transform_indices = @transform_0, window_bounds = array<i64: 4000, 16>}, {pipeline_mode = #tpu.pipeline_mode<synchronous>, transform_indices = @transform_1, window_bounds = array<i64: 16, 128>}, {transform_indices = @transform_2, window_bounds = array<i64: 4000, 128>}]} {
    %get3A = arith.constant 0 : index
    %get3A_0 = arith.constant 0 : index
    %get3A_1 = vector.load %arg1[%get3A, %get3A_0] : memref<4000x16xf32, #tpu.memory_space<vmem>>, vector<4000x16xf32>
    %get3A_2 = arith.constant 0 : index
    %get3A_3 = arith.constant 0 : index
    %get3A_4 = vector.load %arg2[%get3A_2, %get3A_3] : memref<16x128xf32, #tpu.memory_space<vmem>>, vector<16x128xf32>
    %dot_general3A = arith.constant dense<0.000000e+00> : vector<4000x128xf32>
    %dot_general3A_5 = tpu.matmul %get3A_1, %get3A_4, %dot_general3A {dimension_numbers = #tpu.dot_dimension_numbers<[1], [0], [0], [1], [0, 0, 1, 1], [], []>, transpose_lhs_hint = false} : vector<4000x16xf32>, vector<16x128xf32>, vector<4000x128xf32> -> vector<4000x128xf32>
    %swap3A = arith.constant 0 : index
    %swap3A_6 = arith.constant 0 : index
    %swap3A_7 = vector.load %arg3[%swap3A, %swap3A_6] : memref<4000x128xf32, #tpu.memory_space<vmem>>, vector<4000x128xf32>
    tpu.vector_store %arg3[%swap3A, %swap3A_6], %dot_general3A_5 {strides = array<i32>} : memref<4000x128xf32, #tpu.memory_space<vmem>>, vector<4000x128xf32>,
    return
  }
  func.func @transform_0(%arg0: i32) -> (i32, i32) {
    %c0_i32 = arith.constant 0 : i32
    %c0_i32_0 = arith.constant 0 : i32
    return %arg0, %c0_i32 : i32, i32
  }
  func.func @transform_1(%arg0: i32) -> (i32, i32) {
    %c0_i32 = arith.constant 0 : i32
    %c0_i32_0 = arith.constant 0 : i32
    %c0_i32_1 = arith.constant 0 : i32
    return %c0_i32, %c0_i32_0 : i32, i32
  }
  func.func @transform_2(%arg0: i32) -> (i32, i32) {
    %c0_i32 = arith.constant 0 : i32
    %c0_i32_0 = arith.constant 0 : i32
    return %arg0, %c0_i32 : i32, i32
  }
}

module attributes {stable_mosaic.version = 14 : i64} {
  func.func @_proj_body(%arg0: i32, %arg1: memref<1000x128xf32, #tpu.memory_space<vmem>>, %arg2: memref<128x128xf32, #tpu.memory_space<vmem>>, %arg3: memref<128x128xf32, #tpu.memory_space<vmem>>, %arg4: memref<128x128xf32, #tpu.memory_space<vmem>>, %arg5: memref<1x128xf32, #tpu.memory_space<vmem>>, %arg6: memref<1x128xf32, #tpu.memory_space<vmem>>, %arg7: memref<1000x128xf32, #tpu.memory_space<vmem>>, %arg8: memref<1000x128xf32, #tpu.memory_space<vmem>>, %arg9: memref<1000x128xf32, #tpu.memory_space<vmem>>) attributes {dimension_semantics = [#tpu.dimension_semantics<arbitrary>], iteration_bounds = array<i64: 10>, scalar_prefetch = 0 : i64, scratch_operands = 0 : i64, tpu.core_type = #tpu.core_type<tc>, window_params = [{transform_indices = @transform_0, window_bounds = array<i64: 1000, 128>}, {pipeline_mode = #tpu.pipeline_mode<synchronous>, transform_indices = @transform_1, window_bounds = array<i64: 128, 128>}, {pipeline_mode = #tpu.pipeline_mode<synchronous>, transform_indices = @transform_2, window_bounds = array<i64: 128, 128>}, {pipeline_mode = #tpu.pipeline_mode<synchronous>, transform_indices = @transform_3, window_bounds = array<i64: 128, 128>}, {pipeline_mode = #tpu.pipeline_mode<synchronous>, transform_indices = @transform_4, window_bounds = array<i64: 1, 128>}, {pipeline_mode = #tpu.pipeline_mode<synchronous>, transform_indices = @transform_5, window_bounds = array<i64: 1, 128>}, {transform_indices = @transform_6, window_bounds = array<i64: 1000, 128>}, {transform_indices = @transform_7, window_bounds = array<i64: 1000, 128>}, {transform_indices = @transform_8, window_bounds = array<i64: 1000, 128>}]} {
    %get3A = arith.constant 0 : index
    %get3A_0 = arith.constant 0 : index
    %get3A_1 = vector.load %arg1[%get3A, %get3A_0] : memref<1000x128xf32, #tpu.memory_space<vmem>>, vector<1000x128xf32>
    %get3A_2 = arith.constant 0 : index
    %get3A_3 = arith.constant 0 : index
    %get3A_4 = vector.load %arg2[%get3A_2, %get3A_3] : memref<128x128xf32, #tpu.memory_space<vmem>>, vector<128x128xf32>
    %dot_general3A = arith.constant dense<0.000000e+00> : vector<1000x128xf32>
    %dot_general3A_5 = tpu.matmul %get3A_1, %get3A_4, %dot_general3A {dimension_numbers = #tpu.dot_dimension_numbers<[1], [0], [0], [1], [0, 0, 1, 1], [], []>, transpose_lhs_hint = false} : vector<1000x128xf32>, vector<128x128xf32>, vector<1000x128xf32> -> vector<1000x128xf32>
    %swap3A = arith.constant 0 : index
    %swap3A_6 = arith.constant 0 : index
    %swap3A_7 = vector.load %arg7[%swap3A, %swap3A_6] : memref<1000x128xf32, #tpu.memory_space<vmem>>, vector<1000x128xf32>
    tpu.vector_store %arg7[%swap3A, %swap3A_6], %dot_general3A_5 {strides = array<i32>} : memref<1000x128xf32, #tpu.memory_space<vmem>>, vector<1000x128xf32>,
    %get3A_8 = arith.constant 0 : index
    %get3A_9 = arith.constant 0 : index
    %get3A_10 = vector.load %arg3[%get3A_8, %get3A_9] : memref<128x128xf32, #tpu.memory_space<vmem>>, vector<128x128xf32>
    %dot_general3A_11 = arith.constant dense<0.000000e+00> : vector<1000x128xf32>
    %dot_general3A_12 = tpu.matmul %get3A_1, %get3A_10, %dot_general3A_11 {dimension_numbers = #tpu.dot_dimension_numbers<[1], [0], [0], [1], [0, 0, 1, 1], [], []>, transpose_lhs_hint = false} : vector<1000x128xf32>, vector<128x128xf32>, vector<1000x128xf32> -> vector<1000x128xf32>
    %get3A_13 = arith.constant 0 : index
    %get3A_14 = arith.constant 0 : index
    %get3A_15 = vector.load %arg5[%get3A_13, %get3A_14] : memref<1x128xf32, #tpu.memory_space<vmem>>, vector<1x128xf32>
    %add3A = vector.broadcast %get3A_15 : vector<1x128xf32> to vector<1000x128xf32>
    %add3A_16 = arith.addf %dot_general3A_12, %add3A : vector<1000x128xf32>
    %swap3A_17 = arith.constant 0 : index
    %swap3A_18 = arith.constant 0 : index
    %swap3A_19 = vector.load %arg8[%swap3A_17, %swap3A_18] : memref<1000x128xf32, #tpu.memory_space<vmem>>, vector<1000x128xf32>
    tpu.vector_store %arg8[%swap3A_17, %swap3A_18], %add3A_16 {strides = array<i32>} : memref<1000x128xf32, #tpu.memory_space<vmem>>, vector<1000x128xf32>,
    %get3A_20 = arith.constant 0 : index
    %get3A_21 = arith.constant 0 : index
    %get3A_22 = vector.load %arg4[%get3A_20, %get3A_21] : memref<128x128xf32, #tpu.memory_space<vmem>>, vector<128x128xf32>
    %dot_general3A_23 = arith.constant dense<0.000000e+00> : vector<1000x128xf32>
    %dot_general3A_24 = tpu.matmul %get3A_1, %get3A_22, %dot_general3A_23 {dimension_numbers = #tpu.dot_dimension_numbers<[1], [0], [0], [1], [0, 0, 1, 1], [], []>, transpose_lhs_hint = false} : vector<1000x128xf32>, vector<128x128xf32>, vector<1000x128xf32> -> vector<1000x128xf32>
    %get3A_25 = arith.constant 0 : index
    %get3A_26 = arith.constant 0 : index
    %get3A_27 = vector.load %arg6[%get3A_25, %get3A_26] : memref<1x128xf32, #tpu.memory_space<vmem>>, vector<1x128xf32>
    %add3A_28 = vector.broadcast %get3A_27 : vector<1x128xf32> to vector<1000x128xf32>
    %add3A_29 = arith.addf %dot_general3A_24, %add3A_28 : vector<1000x128xf32>
    %swap3A_30 = arith.constant 0 : index
    %swap3A_31 = arith.constant 0 : index
    %swap3A_32 = vector.load %arg9[%swap3A_30, %swap3A_31] : memref<1000x128xf32, #tpu.memory_space<vmem>>, vector<1000x128xf32>
    tpu.vector_store %arg9[%swap3A_30, %swap3A_31], %add3A_29 {strides = array<i32>} : memref<1000x128xf32, #tpu.memory_space<vmem>>, vector<1000x128xf32>,
    return
  }
  func.func @transform_0(%arg0: i32) -> (i32, i32) {
    %c0_i32 = arith.constant 0 : i32
    %c0_i32_0 = arith.constant 0 : i32
    return %arg0, %c0_i32 : i32, i32
  }
  func.func @transform_1(%arg0: i32) -> (i32, i32) {
    %c0_i32 = arith.constant 0 : i32
    %c0_i32_0 = arith.constant 0 : i32
    %c0_i32_1 = arith.constant 0 : i32
    return %c0_i32, %c0_i32_0 : i32, i32
  }
  func.func @transform_2(%arg0: i32) -> (i32, i32) {
    %c0_i32 = arith.constant 0 : i32
    %c0_i32_0 = arith.constant 0 : i32
    %c0_i32_1 = arith.constant 0 : i32
    return %c0_i32, %c0_i32_0 : i32, i32
  }
  func.func @transform_3(%arg0: i32) -> (i32, i32) {
    %c0_i32 = arith.constant 0 : i32
    %c0_i32_0 = arith.constant 0 : i32
    %c0_i32_1 = arith.constant 0 : i32
    return %c0_i32, %c0_i32_0 : i32, i32
  }
  func.func @transform_4(%arg0: i32) -> (i32, i32) {
    %c0_i32 = arith.constant 0 : i32
    %c0_i32_0 = arith.constant 0 : i32
    %c0_i32_1 = arith.constant 0 : i32
    return %c0_i32, %c0_i32_0 : i32, i32
  }
  func.func @transform_5(%arg0: i32) -> (i32, i32) {
    %c0_i32 = arith.constant 0 : i32
    %c0_i32_0 = arith.constant 0 : i32
    %c0_i32_1 = arith.constant 0 : i32
    return %c0_i32, %c0_i32_0 : i32, i32
  }
  func.func @transform_6(%arg0: i32) -> (i32, i32) {
    %c0_i32 = arith.constant 0 : i32
    %c0_i32_0 = arith.constant 0 : i32
    return %arg0, %c0_i32 : i32, i32
  }
  func.func @transform_7(%arg0: i32) -> (i32, i32) {
    %c0_i32 = arith.constant 0 : i32
    %c0_i32_0 = arith.constant 0 : i32
    return %arg0, %c0_i32 : i32, i32
  }
  func.func @transform_8(%arg0: i32) -> (i32, i32) {
    %c0_i32 = arith.constant 0 : i32
    %c0_i32_0 = arith.constant 0 : i32
    return %arg0, %c0_i32 : i32, i32
  }
}

module attributes {stable_mosaic.version = 14 : i64} {
  func.func @_final_body(%arg0: i32, %arg1: memref<1000x128xf32, #tpu.memory_space<vmem>>, %arg2: memref<1000x128xf32, #tpu.memory_space<vmem>>, %arg3: memref<1000x128xf32, #tpu.memory_space<vmem>>, %arg4: memref<128x128xf32, #tpu.memory_space<vmem>>, %arg5: memref<1000x128xf32, #tpu.memory_space<vmem>>) attributes {dimension_semantics = [#tpu.dimension_semantics<arbitrary>], iteration_bounds = array<i64: 10>, scalar_prefetch = 0 : i64, scratch_operands = 0 : i64, tpu.core_type = #tpu.core_type<tc>, window_params = [{transform_indices = @transform_0, window_bounds = array<i64: 1000, 128>}, {transform_indices = @transform_1, window_bounds = array<i64: 1000, 128>}, {transform_indices = @transform_2, window_bounds = array<i64: 1000, 128>}, {pipeline_mode = #tpu.pipeline_mode<synchronous>, transform_indices = @transform_3, window_bounds = array<i64: 128, 128>}, {transform_indices = @transform_4, window_bounds = array<i64: 1000, 128>}]} {
    %get3A = arith.constant 0 : index
    %get3A_0 = arith.constant 0 : index
    %get3A_1 = vector.load %arg2[%get3A, %get3A_0] : memref<1000x128xf32, #tpu.memory_space<vmem>>, vector<1000x128xf32>
    %get3A_2 = arith.constant 0 : index
    %get3A_3 = arith.constant 0 : index
    %get3A_4 = vector.load %arg3[%get3A_2, %get3A_3] : memref<1000x128xf32, #tpu.memory_space<vmem>>, vector<1000x128xf32>
    %add3A = arith.addf %get3A_1, %get3A_4 : vector<1000x128xf32>
    %get3A_5 = arith.constant 0 : index
    %get3A_6 = arith.constant 0 : index
    %get3A_7 = vector.load %arg1[%get3A_5, %get3A_6] : memref<1000x128xf32, #tpu.memory_space<vmem>>, vector<1000x128xf32>
    %get3A_8 = arith.constant 0 : index
    %get3A_9 = arith.constant 0 : index
    %get3A_10 = vector.load %arg4[%get3A_8, %get3A_9] : memref<128x128xf32, #tpu.memory_space<vmem>>, vector<128x128xf32>
    %dot_general3A = arith.constant dense<0.000000e+00> : vector<1000x128xf32>
    %dot_general3A_11 = tpu.matmul %add3A, %get3A_10, %dot_general3A {dimension_numbers = #tpu.dot_dimension_numbers<[1], [0], [0], [1], [0, 0, 1, 1], [], []>, transpose_lhs_hint = false} : vector<1000x128xf32>, vector<128x128xf32>, vector<1000x128xf32> -> vector<1000x128xf32>
    %add3A_12 = arith.addf %get3A_7, %dot_general3A_11 : vector<1000x128xf32>
    %max3A = arith.constant 0.000000e+00 : f32
    %max3A_13 = vector.broadcast %max3A : f32 to vector<1000x128xf32>
    %max3A_14 = arith.maximumf %add3A_12, %max3A_13 : vector<1000x128xf32>
    %swap3A = arith.constant 0 : index
    %swap3A_15 = arith.constant 0 : index
    %swap3A_16 = vector.load %arg5[%swap3A, %swap3A_15] : memref<1000x128xf32, #tpu.memory_space<vmem>>, vector<1000x128xf32>
    tpu.vector_store %arg5[%swap3A, %swap3A_15], %max3A_14 {strides = array<i32>} : memref<1000x128xf32, #tpu.memory_space<vmem>>, vector<1000x128xf32>,
    return
  }
  func.func @transform_0(%arg0: i32) -> (i32, i32) {
    %c0_i32 = arith.constant 0 : i32
    %c0_i32_0 = arith.constant 0 : i32
    return %arg0, %c0_i32 : i32, i32
  }
  func.func @transform_1(%arg0: i32) -> (i32, i32) {
    %c0_i32 = arith.constant 0 : i32
    %c0_i32_0 = arith.constant 0 : i32
    return %arg0, %c0_i32 : i32, i32
  }
  func.func @transform_2(%arg0: i32) -> (i32, i32) {
    %c0_i32 = arith.constant 0 : i32
    %c0_i32_0 = arith.constant 0 : i32
    return %arg0, %c0_i32 : i32, i32
  }
  func.func @transform_3(%arg0: i32) -> (i32, i32) {
    %c0_i32 = arith.constant 0 : i32
    %c0_i32_0 = arith.constant 0 : i32
    %c0_i32_1 = arith.constant 0 : i32
    return %c0_i32, %c0_i32_0 : i32, i32
  }
  func.func @transform_4(%arg0: i32) -> (i32, i32) {
    %c0_i32 = arith.constant 0 : i32
    %c0_i32_0 = arith.constant 0 : i32
    return %arg0, %c0_i32 : i32, i32
  }
}

</mosaic_0001>

<sc_bundles>
// kernel: kernel.6.cloned.1.call-start
scs
__scs_entry_jumppad:
0x0: {  	(pc) =	sbr.rel $0x88, $3  }
0x1: {  	(tag) =	ssettag $0x0;
	lr =	simm.s32 $0x1  }
0x2: {  	[smem:$0x3F9A] =	sst lr;
	_ =	strace $0xD0000000  }
0x3: {  	_ = 	snop  }
0x4: {  	_ = 	snop  }
0x5: {  	_ = 	snop  }
0x6: {  	_ = 	snop  }
0x7: {  	_ = 	snop  }
__scs_overlays_trampoline_lowered:
0x8: {  	[smem:$0x3FA9] =	sst s0  }
0x9: {  	[smem:$0x3FAA] =	sst s1  }
0xa: {  	[smem:$0x3FAB] =	sst s2  }
0xb: {  	[smem:$0x3FAC] =	sst s3  }
0xc: {  	[smem:$0x3FAD] =	sst s4  }
0xd: {  	[smem:$0x3FAE] =	sst s5  }
0xe: {  	[smem:$0x3FAF] =	sst s6  }
0xf: {  	[smem:$0x3FB0] =	sst s7  }
0x10: {  	[smem:$0x3FB1] =	sst s8  }
0x11: {  	[smem:$0x3FB2] =	sst s9;
	s0 =	simm.s32 @!p0 $0x0  }
0x12: {  	s1 =	sld [smem:$0x3F98];
	s0 =	simm.s32 @p0 $0x1  }
0x13: {  	[smem:$0x3FB3] =	sst s0;
	s0 =	simm.s32 @!p1 $0x0  }
0x14: {  	s2 =	sld [smem:$0x3F97];
	s0 =	simm.s32 @p1 $0x1  }
0x15: {  	[smem:$0x3FB4] =	sst s0;
	s0 =	simm.s32 @!p2 $0x0  }
0x16: {  	s3 =	sld [smem:$0x3FDB];
	s0 =	simm.s32 @p2 $0x1  }
0x17: {  	s4 =	simm.s32 $0x1BF5;
	[smem:$0x3FB6] =	sst s0  }
0x18: {  	s0 =	sld [smem:$0x3F99];
	_ =	swait.ge [sflag:s4], $0x0  }
0x19: {  	s7 =	sld [smem:$0x3F9A]  }
0x1a: {  	s8 =	sadd.s32 $0xFFFFE003, lr  }
0x1b: {  	s9 =	sadd.s32 $0xFFFFFEF7, lr;
	s5 =	simm.s32 $0xFFFFFFFF;
	p2 =	slt.u32 s8, $0xFFFFF086  }
0x1c: {  	p1 =	slt.u32 s9, $0xF7A;
	s5 =	simm.s32 @!p2 $0x0  }
0x1d: {  	s5 =	simm.s32 @p1 $0x1;
	p0 =	seq.s32 s7, s2  }
0x1e: {  	s7 =	smul.u32 @!p0 $0xF7A, s2;
	p2 =	seq.s32 @!p0 s5, $0x0  }
0x1f: {  	s9 =	smul.u32 $0xF7A, s1;
	s8 =	simm.s32 @!p0 $0x1BF5;
	p2 =	por !p2, p0  }
0x20: {  	[sflag:s8] =	ssyncset.s32 @!p0 $0xFFFFF086;
	s6 =	sadd.s32 @!p0 s3, s7;
	s7 =	simm.s32 @!p0 $0x108  }
0x21: {  	s3 =	sadd.s32 s3, s9;
	s6 =	sadd.s32 @!p0 $0x88, s6;
	s7 =	simm.s32 @p2 $0x1082  }
0x22: {  	[simem:s7], [sflag:s8] =	dma.local @!p0 [hbm:s6], $0xF7A  }
0x23: {  	s9 =	sor.u32 $0xD0000000, s2;
	s6 =	simm.s32 $0x108;
	_ =	swait.ge @!p0 [sflag:s8], $0x0  }
0x24: {  	s3 =	sadd.s32 $0x88, s3;
	s6 =	simm.s32 @!p1 $0x1082;
	[sflag:s4] =	ssyncset.s32 $0xFFFFF086  }
0x25: {  	[simem:s6], [sflag:s4] =	dma.local [hbm:s3], $0xF7A  }
0x26: {  	[smem:$0x3F9A] =	sst s1;
	(tag) =	ssettag s2;
	_ =	strace s9  }
0x27: {  	s1 =	sld [smem:$0x3FAA]  }
0x28: {  	s2 =	sld [smem:$0x3FAB]  }
0x29: {  	s4 =	sld [smem:$0x3FAD]  }
0x2a: {  	p0 =	seq.s32 s5, $0x0;
	s5 =	sld [smem:$0x3FAE]  }
0x2b: {  	s6 =	sld [smem:$0x3FAF]  }
0x2c: {  	s7 =	sld [smem:$0x3FB0]  }
0x2d: {  	s3 =	simm.s32 $0x108;
	s8 =	sld [smem:$0x3FB1]  }
0x2e: {  	s3 =	simm.s32 @!p0 $0x1082;
	s9 =	sld [smem:$0x3FB2]  }
0x2f: {  	lr =	sadd.s32 s0, s3;
	s0 =	sld [smem:$0x3FA9]  }
0x30: {  	s3 =	sld [smem:$0x3FAC]  }
0x31: {  	[smem:$0x3FB5] =	sst s10  }
0x32: {  	s10 =	sld [smem:$0x3FB3];
	_ =	sdelay $0x3  }
0x33: {  	p0 =	seq.s32 s10, $0x1;
	s10 =	sld [smem:$0x3FB5];
	_ =	sdelay $0x3  }
0x34: {  	[smem:$0x3FB5] =	sst s10  }
0x35: {  	s10 =	sld [smem:$0x3FB4];
	_ =	sdelay $0x3  }
0x36: {  	p1 =	seq.s32 s10, $0x1;
	s10 =	sld [smem:$0x3FB5];
	_ =	sdelay $0x3  }
0x37: {  	[smem:$0x3FB5] =	sst s10  }
0x38: {  	s10 =	sld [smem:$0x3FB6]  }
0x39: {  	_ = 	snop;
	(pc) =	sbr.ind lr, $3  }
0x3a: {  	_ = 	snop  }
0x3b: {  	_ = 	snop  }
0x3c: {  	p2 =	seq.s32 s10, $0x1;
	s10 =	sld [smem:$0x3FB5]  }
0x3d: {  	_ =	shalt  }
0x3e: {  	_ =	shalt  }
0x3f: {  	_ =	shalt  }
0x40: {  	_ =	shalt  }
0x41: {  	_ =	shalt  }
0x42: {  	_ =	shalt  }
0x43: {  	_ =	shalt  }
0x44: {  	_ =	shalt  }
0x45: {  	_ =	shalt  }
0x46: {  	_ =	shalt  }
0x47: {  	_ =	shalt  }
0x48: {  	_ =	shalt  }
0x49: {  	_ =	shalt  }
0x4a: {  	_ =	shalt  }
0x4b: {  	_ =	shalt  }
0x4c: {  	_ =	shalt  }
0x4d: {  	_ =	shalt  }
0x4e: {  	_ =	shalt  }
0x4f: {  	_ =	shalt  }
0x50: {  	_ =	shalt  }
0x51: {  	_ =	shalt  }
0x52: {  	_ =	shalt  }
0x53: {  	_ =	shalt  }
0x54: {  	_ =	shalt  }
0x55: {  	_ =	shalt  }
0x56: {  	_ =	shalt  }
0x57: {  	_ =	shalt  }
0x58: {  	_ =	shalt  }
0x59: {  	_ =	shalt  }
0x5a: {  	_ =	shalt  }
0x5b: {  	_ =	shalt  }
0x5c: {  	_ =	shalt  }
0x5d: {  	_ =	shalt  }
0x5e: {  	_ =	shalt  }
0x5f: {  	_ =	shalt  }
0x60: {  	_ =	shalt  }
0x61: {  	_ =	shalt  }
0x62: {  	_ =	shalt  }
0x63: {  	_ =	shalt  }
0x64: {  	_ =	shalt  }
0x65: {  	_ =	shalt  }
0x66: {  	_ =	shalt  }
0x67: {  	_ =	shalt  }
0x68: {  	_ =	shalt  }
0x69: {  	_ =	shalt  }
0x6a: {  	_ =	shalt  }
0x6b: {  	_ =	shalt  }
0x6c: {  	_ =	shalt  }
0x6d: {  	_ =	shalt  }
0x6e: {  	_ =	shalt  }
0x6f: {  	_ =	shalt  }
0x70: {  	_ =	shalt  }
0x71: {  	_ =	shalt  }
0x72: {  	_ =	shalt  }
0x73: {  	_ =	shalt  }
0x74: {  	_ =	shalt  }
0x75: {  	_ =	shalt  }
0x76: {  	_ =	shalt  }
0x77: {  	_ =	shalt  }
0x78: {  	_ =	shalt  }
0x79: {  	_ =	shalt  }
0x7a: {  	_ =	shalt  }
0x7b: {  	_ =	shalt  }
0x7c: {  	_ =	shalt  }
0x7d: {  	_ =	shalt  }
0x7e: {  	_ =	shalt  }
0x7f: {  	_ =	shalt  }
0x80: {  	_ =	shalt  }
0x81: {  	_ =	shalt  }
0x82: {  	_ =	shalt  }
0x83: {  	_ =	shalt  }
0x84: {  	_ =	shalt  }
0x85: {  	_ =	shalt  }
0x86: {  	_ =	shalt  }
0x87: {  	_ =	shalt  }
.Lfunc_end0:
.L_simem_size_0:
called_computation_lowered:
.L_overlay_start_0:
0x88: {  	s2 =	sld [smem:$0x3FD9]  }
0x89: {  	s3 =	sld [smem:$0x3FFE];
	_ =	sdelay $0x1  }
0x8a: {  	s1 =	srdreg.scid  }
0x8b: {  	s0 =	sand.u32 $0x1, s1  }
0x8c: {  	s16 =	sshll.u32 s0, $0xA;
	s2 =	sadd.s32 s3, s2  }
0x8d: {  	s2 =	sadd.s32 s2, s16  }
0x8e: {  	[smem:$0x3FC1] =	sst s2  }
0x8f: {  	_ = 	snop  }
0x90: {  	(tm) =	ssettm $0x1  }
0x91: {  	s17 =	sld [smem:$0x3FFB];
	_ =	sdelay $0x3  }
0x92: {  	_ =	strace s17  }
0x93: {  	s2 =	sld [smem:$0x3FFC];
	_ =	sdelay $0x3  }
0x94: {  	_ =	strace s2  }
0x95: {  	s2 =	sld [smem:$0x3FFD];
	_ =	sdelay $0x3  }
0x96: {  	_ =	strace s2  }
0x97: {  	_ =	strace $0x8FFFFFFF  }
0x98: {  	s18 =	sld [smem:$0x3FDB];
	_ =	sdelay $0x1  }
0x99: {  	s19 =	simm.s32 $_scs_section_size  }
0x9a: {  	s4 =	simm.s32 $_size__tile_overlayer_lowered;
	s5 =	simm.s32 $_tile_overlayer_lowered  }
0x9b: {  	s22 =	simm.s32 $0x1BFF;
	s21 =	sshll.u32 s5, $0x1;
	s2 =	sadd.s32 s19, s18  }
0x9c: {  	s6 =	simm.s32 $0x0;
	s20 =	sshll.u32 s4, $0x1;
	s4 =	sadd.s32 s21, s2  }
0x9d: {  	[timem:s6], [sflag:s22] =	dma.local [hbm:s4], s20  }
0x9e: {  	_ =	swait.ge [sflag:s22], s20  }
0x9f: {  	s3 =	ssub.s32 $0x0, s20;
	[sflag:s22] =	ssyncset.done $0x0  }
0xa0: {  	[sflag:s22] =	ssyncadd.s32 s3;
	_ =	sdelay $0x1  }
0xa1: {  	s23 =	simm.s32 $0x1B8B  }
0xa2: {  	_ =	swait.ge [sflag:s23], $0x1  }
0xa3: {  	[sflag:s23] =	ssyncset.done $0x0  }
0xa4: {  	s25 =	simm.s32 $0x1B8E;
	s24 =	sld [smem:$0x3FFE];
	[sflag:s23] =	ssyncadd.s32 $0xFFFFFFFF  }
0xa5: {  	s26 =	simm.s32 $execute0_lowered;
	[smem:$0x3FD2] =	sst s25  }
0xa6: {  	s4 =	sshll.u32 s26, $0x1;
	_ =	strace $0x80000046;
	[dreg:$0x1] =	wrdreg $0xFFFFFFFF  }
0xa7: {  	s28 =	simm.s32 $_size_execute0_lowered;
	s2 =	sadd.s32 s2, s4;
	[dreg:$0x0] =	wrdreg $0x0  }
0xa8: {  	s4 =	sshll.u32 s28, $0x1;
	[dreg:$0x2] =	wrdreg s2  }
0xa9: {  	[dreg:$0x3] =	wrdreg s4  }
0xaa: {  	[dreg:$0x4] =	wrdreg $0xC0  }
0xab: {  	_ =	task [dreg:s6], $0x5FFFF  }
0xac: {  	[dreg:$0x1] =	wrdreg $0xFFFFFFFF  }
0xad: {  	[dreg:$0x0] =	wrdreg $0x60  }
0xae: {  	[dreg:$0x2] =	wrdreg s24  }
0xaf: {  	[dreg:$0x3] =	wrdreg $0xC2000  }
0xb0: {  	[dreg:$0x4] =	wrdreg $0x9  }
0xb1: {  	_ =	task.clear_ibuf [dreg:s6], $0x5FFFF;
	_ =	strace $0x90000046  }
0xb2: {  	s29 =	simm.s32 $0x9;
	_ =	strace $0x80000048  }
0xb3: {  	_ =	swait.ge [sflag:s29], $0x1  }
0xb4: {  	[sflag:s29] =	ssyncadd.s32 $0xFFFFFFFF  }
0xb5: {  	_ =	strace $0x90000048  }
0xb6: {  	_ =	sfence  }
0xb7: {  	s30 =	sld [smem:$0x0];
	_ =	sdelay $0x2  }
0xb8: {  	s31 =	sshll.u32 s1, $0xD;
	s1 =	sshrl.u32 s1, $0x2  }
0xb9: {  	s3 =	sand.u32 $0x4000, s31;
	s1 =	sadd.s32 s1, s30  }
0xba: {  	s0 =	sor.u32 s3, s0;
	s1 =	sshll.u32 s1, $0x11  }
0xbb: {  	s0 =	sor.u32 s1, s0  }
0xbc: {  	s0 =	sadd.s32 $0x8F2B, s0  }
0xbd: {  	[sflag:s0] =	ssyncadd.remote.s32 $0x1  }
0xbe: {  	_ =	sfence.sel $0xFFFF  }
0xbf: {  	[dreg:$0x0] =	wrdreg $0xFFFFFFFF;
	(pc) =	sbr.abs _section_cstart, $3  }
0xc0: {  	[dreg:$0x1] =	wrdreg $0xFFFFFFFF  }
0xc1: {  	_ =	task.clear_ibuf [dreg:s6], $0x2FFFF;
	_ =	strace $0x9FFFFFFF  }
0xc2: {  	(tm) =	ssettm $0x7FFFFFFF  }
0xc3: {  	_ =	shalt  }
tec
execute0_lowered:
.L_overlay_start_1:
0x0: {  	(tag) =	ssettag $0x1  }
0x1: {  	s0 =	rddreg [dreg:$0x0]  }
0x2: {  	s1 =	rddreg [dreg:$0x1]  }
0x3: {  	s2 =	srdreg.scid;
	s3 =	simm.s32 $0x0;
	s12 =	stileid.u32  }
0x4: {  	s28 =	simm.s32 $0x80;
	s30 =	simm.s32 $0x100;
	s31 =	simm.s32 $0x2200  }
0x5: {  	s29 =	simm.s32 $0xA200;
	s13 =	simm.s32 $0x4;
	s8 =	smul.u32 $0x13C00, s12  }
0x6: {  	s2 =	sand.u32 $0x1, s2;
	[smem:$0x7FF] =	sst s3;
	s9 =	smul.u32 $0x4F000, s12  }
0x7: {  	s4 =	sadd.s32 $0x2A00, s0;
	s5 =	sadd.s32 $0x29C00, s0;
	s7 =	smul.u32 $0x13C000, s2  }
0x8: {  	s6 =	sadd.s32 $0x50BC00, s0;
	s11 =	sshll.u32 s12, $0x1;
	s10 =	ssub.s32 $0x2, s2  }
0x9: {  	s14 =	sshrl.u32 s10, $0x1;
	s9 =	sshrl.u32 s9, $0x2;
	s8 =	sadd.s32 s8, s7  }
0xa: {  	s7 =	sadd.s32 $0x4E4A00, s0;
	s10 =	ssub.s32 s10, s14;
	s8 =	sshrl.u32 s8, $0x3  }
0xb: {  	s26 =	smax.u32 s10, $0x1;
	s0 =	sadd.s32 s8, s0;
	s8 =	sadd.s32 s9, s1  }
0xc: {  	_ =	strace $0x80000047;
	[dreg:$0xf] =	wrdreg s26;
	s15 =	sadd.s32 $0x2000, s8  }
0xd: {  	p0 =	sgt.u32 s12, $0x3;
	s16 =	sadd.s32 $0x4000, s8;
	[dreg:$0x3] =	wrdreg s15  }
0xe: {  	s12 =	simm.s32 $0x2;
	s17 =	sadd.s32 $0x6000, s8;
	[dreg:$0x4] =	wrdreg s16  }
0xf: {  	s14 =	simm.s32 $0x6;
	s18 =	sadd.s32 $0x8000, s8;
	[dreg:$0x5] =	wrdreg s17  }
0x10: {  	s10 =	simm.s32 $0x3;
	s19 =	sadd.s32 $0xA000, s8;
	[dreg:$0x6] =	wrdreg s18  }
0x11: {  	s9 =	sor.u32 s2, s11;
	s20 =	sadd.s32 $0xC000, s8;
	[dreg:$0x7] =	wrdreg s19  }
0x12: {  	s26 =	simm.s32 $0x6200;
	s21 =	sadd.s32 $0xE000, s8;
	[dreg:$0x8] =	wrdreg s20  }
0x13: {  	s22 =	sadd.s32 $0x10000, s8;
	s23 =	sadd.s32 $0x12000, s8;
	[dreg:$0x9] =	wrdreg s21  }
0x14: {  	s24 =	sshll.u32 s9, $0x5;
	s11 =	sshll.u32 s9, $0xA;
	[dreg:$0xa] =	wrdreg s22  }
.Ltmp0:
0x15: {  	s0 =	sadd.s32 $0x50E00, s0;
	[dreg:$0xb] =	wrdreg s23;
	(pc) =	sbr.rel .LBB2_1-.Ltmp0, $4  }
0x16: {  	s2 =	sadd.s32 s7, s24;
	s25 =	sadd.s32 s6, s11;
	[dreg:$0xe] =	wrdreg s0  }
0x17: {  	s23 =	simm.s32 $0x8200;
	s24 =	simm.s32 $0x9;
	s0 =	simm.s32 $0x180  }
0x18: {  	s11 =	simm.s32 $0x5;
	s16 =	simm.s32 $0x8;
	[dreg:$0xc] =	wrdreg s2  }
0x19: {  	v0 =	vimm.f32 $0.0e+00;
	[dreg:$0xd] =	wrdreg s25;
	s25 =	simm.s32 $0x40;
	s2 =	simm.s32 $0x1  }
.LBB2_13:
0x1a: {  	s15 =	simm.s32 $0x7  }
0x1b: {  	_ =	swait.ge [sflag:s15], $0x2000  }
0x1c: {  	[sflag:s15] =	ssyncset.done $0x0  }
0x1d: {  	[sflag:s15] =	ssyncadd.s32 $0xFFFFE000  }
0x1e: {  	_ =	swait.ge [sflag:s16], $0x2000  }
0x1f: {  	[sflag:s16] =	ssyncset.done $0x0  }
0x20: {  	s21 =	stileid.u32;
	[sflag:s16] =	ssyncadd.s32 $0xFFFFE000  }
0x21: {  	s15 =	sshll.u32 s21, $0x6;
	[bflag:$0x0] =	sbarrier.arrive $0xFFFF  }
0x22: {  	s17 =	sshrl.u32 s8, $0x3;
	s15 =	sor.u32 $0x1C09, s15;
	s18 =	rddreg [dreg:$0xe]  }
0x23: {  	[hbm:s18], [sflag:s15] =	dma.local [spmem:s17], $0x2780  }
0x24: {  	_ =	swait.ge [sflag:s24], $0x2780  }
0x25: {  	s3 =	sadd.s32 $0x1, s3;
	s22 =	rddreg [dreg:$0xf]  }
0x26: {  	p1 =	sne.s32 s3, s22  }
.Ltmp1:
0x27: {  	_ = 	snop;
	(pc) =	sbr.rel @!p1 .LBB2_14-.Ltmp1, $3  }
0x28: {  	_ =	sdelay $0x1  }
0x29: {  	[sflag:s24] =	ssyncset.done $0x0  }
0x2a: {  	[sflag:s24] =	ssyncadd.s32 $0xFFFFD880  }
.LBB2_1:
0x2b: {  	s17 =	simm.s32 $0x0;
	s18 =	simm.s32 $0x200  }
.LBB2_2:
0x2c: {  	p1 =	sne.s32 s18, $0x7E00;
	[tilespmem:s17+$0x8270] =	vst v0  }
0x2d: {  	[tilespmem:s17+$0x8200] =	vst v0  }
0x2e: {  	[tilespmem:s17+$0x8210] =	vst v0  }
.Ltmp2:
0x2f: {  	[tilespmem:s17+$0x8220] =	vst v0;
	(pc) =	sbr.rel @p1 .LBB2_2-.Ltmp2, $4  }
0x30: {  	[tilespmem:s17+$0x8230] =	vst v0  }
0x31: {  	[tilespmem:s17+$0x8240] =	vst v0  }
0x32: {  	[tilespmem:s17+$0x8250] =	vst v0  }
0x33: {  	[tilespmem:s17+$0x8260] =	vst v0;
	s17 =	sshra.s32 s18, $0x2;
	s18 =	sadd.s32 $0x200, s18  }
0x34: {  	[tilespmem:s17+$0x8270] =	vst v0  }
0x35: {  	[tilespmem:s17+$0x8200] =	vst v0  }
0x36: {  	[tilespmem:s17+$0x8210] =	vst v0  }
0x37: {  	[tilespmem:s17+$0x8220] =	vst v0  }
0x38: {  	[tilespmem:s17+$0x8230] =	vst v0  }
0x39: {  	[tilespmem:s17+$0x8240] =	vst v0  }
0x3a: {  	[tilespmem:s17+$0x8250] =	vst v0  }
0x3b: {  	[tilespmem:s17+$0x8260] =	vst v0  }
0x3c: {  	[spmem:s8] =	stream.linear.scatter [tilespmem:s23], [sflag:$0x9], $0x2000, $0x38;
	[tilespmem:$0x1FE00] =	vst v63  }
0x3d: {  	_ =	swait.ge [sflag:s24], $0x2000  }
0x3e: {  	[sflag:s24] =	ssyncset.done $0x0  }
0x3f: {  	s15 =	rddreg [dreg:$0x3];
	[sflag:s24] =	ssyncadd.s32 $0xFFFFE000  }
0x40: {  	[spmem:s15] =	stream.linear.scatter [tilespmem:s23], [sflag:$0x9], $0x2000, $0x38;
	[tilespmem:$0x1FE00] =	vst v63  }
0x41: {  	_ =	swait.ge [sflag:s24], $0x2000  }
0x42: {  	[sflag:s24] =	ssyncset.done $0x0  }
0x43: {  	s17 =	rddreg [dreg:$0x4];
	[sflag:s24] =	ssyncadd.s32 $0xFFFFE000  }
0x44: {  	[spmem:s17] =	stream.linear.scatter [tilespmem:s23], [sflag:$0x9], $0x2000, $0x38;
	[tilespmem:$0x1FE00] =	vst v63  }
0x45: {  	_ =	swait.ge [sflag:s24], $0x2000  }
0x46: {  	[sflag:s24] =	ssyncset.done $0x0  }
0x47: {  	s18 =	rddreg [dreg:$0x5];
	[sflag:s24] =	ssyncadd.s32 $0xFFFFE000  }
0x48: {  	[spmem:s18] =	stream.linear.scatter [tilespmem:s23], [sflag:$0x9], $0x2000, $0x38;
	[tilespmem:$0x1FE00] =	vst v63  }
0x49: {  	_ =	swait.ge [sflag:s24], $0x2000  }
0x4a: {  	[sflag:s24] =	ssyncset.done $0x0  }
0x4b: {  	s19 =	rddreg [dreg:$0x6];
	[sflag:s24] =	ssyncadd.s32 $0xFFFFE000  }
0x4c: {  	[spmem:s19] =	stream.linear.scatter [tilespmem:s23], [sflag:$0x9], $0x2000, $0x38;
	[tilespmem:$0x1FE00] =	vst v63  }
0x4d: {  	_ =	swait.ge [sflag:s24], $0x2000  }
0x4e: {  	[sflag:s24] =	ssyncset.done $0x0  }
0x4f: {  	s20 =	rddreg [dreg:$0x7];
	[sflag:s24] =	ssyncadd.s32 $0xFFFFE000  }
0x50: {  	[spmem:s20] =	stream.linear.scatter [tilespmem:s23], [sflag:$0x9], $0x2000, $0x38;
	[tilespmem:$0x1FE00] =	vst v63  }
0x51: {  	_ =	swait.ge [sflag:s24], $0x2000  }
0x52: {  	[sflag:s24] =	ssyncset.done $0x0  }
0x53: {  	s21 =	rddreg [dreg:$0x8];
	[sflag:s24] =	ssyncadd.s32 $0xFFFFE000  }
0x54: {  	[spmem:s21] =	stream.linear.scatter [tilespmem:s23], [sflag:$0x9], $0x2000, $0x38;
	[tilespmem:$0x1FE00] =	vst v63  }
0x55: {  	_ =	swait.ge [sflag:s24], $0x2000  }
0x56: {  	[sflag:s24] =	ssyncset.done $0x0  }
0x57: {  	s22 =	rddreg [dreg:$0x9];
	[sflag:s24] =	ssyncadd.s32 $0xFFFFE000  }
0x58: {  	[spmem:s22] =	stream.linear.scatter [tilespmem:s23], [sflag:$0x9], $0x2000, $0x38;
	[tilespmem:$0x1FE00] =	vst v63  }
0x59: {  	_ =	swait.ge [sflag:s24], $0x2000  }
0x5a: {  	[sflag:s24] =	ssyncset.done $0x0  }
0x5b: {  	s17 =	rddreg [dreg:$0xa];
	[sflag:s24] =	ssyncadd.s32 $0xFFFFE000  }
0x5c: {  	[spmem:s17] =	stream.linear.scatter [tilespmem:s23], [sflag:$0x9], $0x2000, $0x38;
	[tilespmem:$0x1FE00] =	vst v63  }
0x5d: {  	_ =	swait.ge [sflag:s24], $0x2000  }
0x5e: {  	[sflag:s24] =	ssyncset.done $0x0  }
0x5f: {  	s18 =	rddreg [dreg:$0xb];
	[sflag:s24] =	ssyncadd.s32 $0xFFFFE000  }
0x60: {  	[spmem:s18] =	stream.linear.scatter [tilespmem:s23], [sflag:$0x9], $0x1C00, $0x38;
	[tilespmem:$0x1FE00] =	vst v63  }
0x61: {  	_ =	swait.ge [sflag:s24], $0x1C00  }
0x62: {  	[sflag:s24] =	ssyncset.done $0x0  }
0x63: {  	[sflag:s24] =	ssyncadd.s32 $0xFFFFE400  }
0x64: {  	[bflag:$0x0] =	sbarrier.arrive $0xFFFF  }
0x65: {  	s17 =	simm.s32 $0x0;
	s19 =	rddreg [dreg:$0xc]  }
0x66: {  	[tilespmem:s17], [sflag:$0x9] =	stream.linear.gather [hbm4b:s19+s17], $0x100, $0x38;
	[tilespmem:$0x1FE00] =	vst v63  }
0x67: {  	_ =	swait.ge [sflag:s24], $0x100  }
0x68: {  	[sflag:s24] =	ssyncset.done $0x0  }
0x69: {  	s20 =	simm.s32 $0x200;
	[sflag:s24] =	ssyncadd.s32 $0xFFFFFF00  }
0x6a: {  	[tilespmem:s20], [sflag:$0x1] =	stream.indirect.gather [hbm4b:s4+s25], $0x80, s17, s25, $0xb8;
	[tilespmem:$0x1FE00] =	vst v63  }
0x6b: {  	s21 =	simm.s32 $0x4200  }
0x6c: {  	[tilespmem:s21], [sflag:$0x3] =	stream.indirect.gather [hbm4b:s5+s25], $0x80, s28, s25, $0xb8;
	[tilespmem:$0x1FE00] =	vst v63  }
0x6d: {  	s18 =	simm.s32 $0x0;
	s22 =	rddreg [dreg:$0xd]  }
0x6e: {  	[tilespmem:s23], [sflag:$0x5] =	stream.linear.gather [hbm4b:s22+s17], $0x2000, $0x38;
	[tilespmem:$0x1FE00] =	vst v63  }
.LBB2_4:
0x6f: {  	s19 =	sshll.u32 s18, $0x6;
	p1 =	seq.s32 s18, $0x0  }
0x70: {  	s19 =	sor.u32 s9, s19;
	s20 =	simm.s32 @!p1 $0x8  }
0x71: {  	s21 =	sor.u32 $0x20, s19;
	_ =	swait.ge @!p1 [sflag:s20], $0x2000  }
0x72: {  	[sflag:s20] =	ssyncset.done @!p1 $0x0;
	s22 =	sshll.u32 s21, $0x5  }
0x73: {  	[sflag:s20] =	ssyncadd.s32 @!p1 $0xFFFFE000;
	s15 =	sadd.s32 s7, s22  }
0x74: {  	[tilespmem:s30], [sflag:$0x9] =	stream.linear.gather [hbm4b:s15+s17], $0x100, $0x38;
	[tilespmem:$0x1FE00] =	vst v63  }
0x75: {  	_ =	swait.ge [sflag:s24], $0x100  }
0x76: {  	[sflag:s24] =	ssyncset.done $0x0  }
0x77: {  	[sflag:s24] =	ssyncadd.s32 $0xFFFFFF00  }
0x78: {  	[tilespmem:s31], [sflag:$0x2] =	stream.indirect.gather [hbm4b:s4+s25], $0x80, s30, s25, $0xb8;
	[tilespmem:$0x1FE00] =	vst v63  }
0x79: {  	s22 =	sshll.u32 s21, $0xA  }
0x7a: {  	[tilespmem:s26], [sflag:$0x4] =	stream.indirect.gather [hbm4b:s5+s25], $0x80, s0, s25, $0xb8;
	[tilespmem:$0x1FE00] =	vst v63  }
0x7b: {  	s20 =	sadd.s32 s6, s22  }
0x7c: {  	[tilespmem:s29], [sflag:$0x6] =	stream.linear.gather [hbm4b:s20+s17], $0x2000, $0x38;
	[tilespmem:$0x1FE00] =	vst v63  }
0x7d: {  	_ =	swait.ge [sflag:s2], $0x2000  }
0x7e: {  	[sflag:s2] =	ssyncset.done $0x0  }
0x7f: {  	[sflag:s2] =	ssyncadd.s32 $0xFFFFE000  }
0x80: {  	_ =	swait.ge [sflag:s10], $0x2000  }
0x81: {  	[sflag:s10] =	ssyncset.done $0x0  }
0x82: {  	[sflag:s10] =	ssyncadd.s32 $0xFFFFE000  }
0x83: {  	_ =	swait.ge [sflag:s11], $0x2000  }
0x84: {  	[sflag:s11] =	ssyncset.done $0x0  }
0x85: {  	s20 =	simm.s32 $0x0;
	[sflag:s11] =	ssyncadd.s32 $0xFFFFE000  }
0x86: {  	v13 =	vld [tilespmem:s20+$0x200]  }
0x87: {  	v18 =	vld [tilespmem:s20+$0x4200]  }
0x88: {  	v20 =	vld [tilespmem:s20+$0x210]  }
0x89: {  	v21 =	vld [tilespmem:s20+$0x4210]  }
0x8a: {  	v6 =	vld [tilespmem:s20+$0x220]  }
0x8b: {  	v10 =	vld [tilespmem:s20+$0x4220]  }
0x8c: {  	v8 =	vld [tilespmem:s20+$0x230]  }
0x8d: {  	v12 =	vld [tilespmem:s20+$0x4230]  }
0x8e: {  	v9 =	vld [tilespmem:s20+$0x240]  }
0x8f: {  	v11 =	vld [tilespmem:s20+$0x4240]  }
0x90: {  	v5 =	vld [tilespmem:s20+$0x250]  }
0x91: {  	v7 =	vld [tilespmem:s20+$0x4250]  }
0x92: {  	v3 =	vld [tilespmem:s20+$0x260]  }
0x93: {  	v4 =	vld [tilespmem:s20+$0x4260]  }
0x94: {  	v1 =	vld [tilespmem:s20+$0x270]  }
0x95: {  	v2 =	vld [tilespmem:s20+$0x4270]  }
0x96: {  	v17 =	vld [tilespmem:s20+$0x8200]  }
0x97: {  	v16 =	vld [tilespmem:s20+$0x8210]  }
0x98: {  	v15 =	vld [tilespmem:s20+$0x8220]  }
0x99: {  	v14 =	vld [tilespmem:s20+$0x8230];
	v19 =	vadd.f32 v18, v13  }
0x9a: {  	s21 =	simm.s32 $0x200;
	v18 =	vadd.f32 v21, v20;
	v13 =	vld [tilespmem:s20+$0x8240]  }
.LBB2_5:
0x9b: {  	p1 =	sne.s32 s21, $0x7E00;
	v17 =	vadd.f32 v17, v19;
	v6 =	vadd.f32 v10, v6;
	v10 =	vld [tilespmem:s20+$0x8250]  }
0x9c: {  	v8 =	vadd.f32 v12, v8;
	v16 =	vadd.f32 v16, v18;
	v12 =	vld [tilespmem:s20+$0x8260]  }
0x9d: {  	s22 =	sshra.s32 s21, $0x2;
	v9 =	vadd.f32 v11, v9;
	v17 =	vmax.f32 v17, $0.0e+00;
	v6 =	vadd.f32 v15, v6;
	v11 =	vld [tilespmem:s20+$0x8270]  }
0x9e: {  	v5 =	vadd.f32 v7, v5;
	v18 =	vld [tilespmem:s22+$0x200];
	[tilespmem:s20+$0x8200] =	vst v17;
	v15 =	vmax.f32 v16, $0.0e+00;
	v8 =	vadd.f32 v14, v8  }
0x9f: {  	v3 =	vadd.f32 v4, v3;
	v14 =	vld [tilespmem:s22+$0x4200];
	[tilespmem:s20+$0x8210] =	vst v15;
	v6 =	vmax.f32 v6, $0.0e+00;
	v7 =	vadd.f32 v13, v9  }
0xa0: {  	v1 =	vadd.f32 v2, v1;
	v13 =	vld [tilespmem:s22+$0x210];
	[tilespmem:s20+$0x8220] =	vst v6;
	v4 =	vmax.f32 v8, $0.0e+00;
	v5 =	vadd.f32 v10, v5  }
0xa1: {  	v20 =	vld [tilespmem:s22+$0x4210];
	[tilespmem:s20+$0x8230] =	vst v4;
	v2 =	vmax.f32 v7, $0.0e+00;
	v3 =	vadd.f32 v12, v3  }
0xa2: {  	v6 =	vld [tilespmem:s22+$0x220];
	[tilespmem:s20+$0x8240] =	vst v2;
	v2 =	vmax.f32 v5, $0.0e+00;
	v1 =	vadd.f32 v11, v1  }
0xa3: {  	v10 =	vld [tilespmem:s22+$0x4220];
	[tilespmem:s20+$0x8250] =	vst v2;
	v2 =	vmax.f32 v3, $0.0e+00  }
0xa4: {  	v8 =	vld [tilespmem:s22+$0x230];
	[tilespmem:s20+$0x8260] =	vst v2;
	v1 =	vmax.f32 v1, $0.0e+00  }
0xa5: {  	v12 =	vld [tilespmem:s22+$0x4230];
	[tilespmem:s20+$0x8270] =	vst v1;
	s20 =	smov.u32 s22  }
0xa6: {  	v9 =	vld [tilespmem:s20+$0x240]  }
0xa7: {  	v11 =	vld [tilespmem:s20+$0x4240]  }
0xa8: {  	v5 =	vld [tilespmem:s20+$0x250]  }
0xa9: {  	v7 =	vld [tilespmem:s20+$0x4250]  }
0xaa: {  	v3 =	vld [tilespmem:s20+$0x260]  }
0xab: {  	v4 =	vld [tilespmem:s20+$0x4260]  }
0xac: {  	v1 =	vld [tilespmem:s20+$0x270]  }
0xad: {  	v2 =	vld [tilespmem:s20+$0x4270]  }
.Ltmp3:
0xae: {  	v17 =	vld [tilespmem:s20+$0x8200];
	(pc) =	sbr.rel @p1 .LBB2_5-.Ltmp3, $4  }
0xaf: {  	v16 =	vld [tilespmem:s20+$0x8210]  }
0xb0: {  	v15 =	vld [tilespmem:s20+$0x8220]  }
0xb1: {  	v19 =	vadd.f32 v14, v18;
	v14 =	vld [tilespmem:s20+$0x8230]  }
0xb2: {  	s21 =	sadd.s32 $0x200, s21;
	v18 =	vadd.f32 v20, v13;
	v13 =	vld [tilespmem:s20+$0x8240]  }
0xb3: {  	v17 =	vadd.f32 v17, v19  }
0xb4: {  	v6 =	vadd.f32 v10, v6;
	v10 =	vld [tilespmem:s20+$0x8250];
	v8 =	vadd.f32 v12, v8  }
0xb5: {  	v9 =	vadd.f32 v11, v9;
	v11 =	vld [tilespmem:s20+$0x8270];
	v16 =	vadd.f32 v16, v18  }
0xb6: {  	v12 =	vld [tilespmem:s20+$0x8260];
	v17 =	vmax.f32 v17, $0.0e+00;
	v6 =	vadd.f32 v15, v6  }
0xb7: {  	v5 =	vadd.f32 v7, v5;
	[tilespmem:s20+$0x8200] =	vst v17;
	v15 =	vmax.f32 v16, $0.0e+00;
	v8 =	vadd.f32 v14, v8  }
0xb8: {  	v1 =	vadd.f32 v2, v1;
	[tilespmem:s20+$0x8210] =	vst v15;
	v6 =	vmax.f32 v6, $0.0e+00;
	v7 =	vadd.f32 v13, v9  }
0xb9: {  	v3 =	vadd.f32 v4, v3;
	[tilespmem:s20+$0x8220] =	vst v6;
	v4 =	vmax.f32 v8, $0.0e+00;
	v5 =	vadd.f32 v10, v5  }
0xba: {  	v1 =	vadd.f32 v11, v1;
	[tilespmem:s20+$0x8230] =	vst v4;
	v2 =	vmax.f32 v7, $0.0e+00  }
0xbb: {  	v3 =	vadd.f32 v12, v3;
	[tilespmem:s20+$0x8240] =	vst v2;
	v2 =	vmax.f32 v5, $0.0e+00  }
0xbc: {  	v1 =	vmax.f32 v1, $0.0e+00;
	[tilespmem:s20+$0x8250] =	vst v2  }
0xbd: {  	p1 =	sgt.u32 s19, $0x1347;
	v2 =	vmax.f32 v3, $0.0e+00;
	[tilespmem:s20+$0x8270] =	vst v1  }
0xbe: {  	[tilespmem:s20+$0x8260] =	vst v2;
	s20 =	simm.s32 @!p1 $0x7  }
0xbf: {  	[spmem:s1] =	stream.indirect.scatter.add.f32 [tilespmem:s23], [sflag:$0x7], $0x80, s28, s25, $0xb8;
	[tilespmem:$0x1FE00] =	vst v63  }
0xc0: {  	s19 =	sadd.s32 @!p1 $0x40, s19;
	_ =	swait.ge @!p1 [sflag:s20], $0x2000  }
0xc1: {  	s21 =	sshll.u32 @!p1 s19, $0x5;
	[sflag:s20] =	ssyncset.done @!p1 $0x0  }
0xc2: {  	[sflag:s20] =	ssyncadd.s32 @!p1 $0xFFFFE000;
	s20 =	sadd.s32 @!p1 s7, s21;
	s21 =	simm.s32 @!p1 $0x0  }
0xc3: {  	[tilespmem:s21], [sflag:$0x9] =	stream.linear.gather @!p1 [hbm4b:s20+s21], $0x100, $0x38;
	[tilespmem:$0x1FE00] =	vst v63  }
0xc4: {  	s20 =	simm.s32 @!p1 $0x9  }
0xc5: {  	_ =	swait.ge @!p1 [sflag:s20], $0x100  }
0xc6: {  	[sflag:s20] =	ssyncset.done @!p1 $0x0  }
0xc7: {  	s22 =	simm.s32 @!p1 $0x200;
	[sflag:s20] =	ssyncadd.s32 @!p1 $0xFFFFFF00;
	s20 =	simm.s32 @!p1 $0x40  }
0xc8: {  	[tilespmem:s22], [sflag:$0x1] =	stream.indirect.gather @!p1 [hbm4b:s4+s20], $0x80, s21, s20, $0xb8;
	[tilespmem:$0x1FE00] =	vst v63  }
0xc9: {  	s15 =	simm.s32 @!p1 $0x4200;
	s22 =	simm.s32 @!p1 $0x80  }
0xca: {  	[tilespmem:s15], [sflag:$0x3] =	stream.indirect.gather @!p1 [hbm4b:s5+s20], $0x80, s22, s20, $0xb8;
	[tilespmem:$0x1FE00] =	vst v63  }
0xcb: {  	s15 =	sshll.u32 @!p1 s19, $0xA  }
0xcc: {  	s19 =	simm.s32 @!p1 $0x8200;
	s15 =	sadd.s32 @!p1 s6, s15  }
0xcd: {  	[tilespmem:s19], [sflag:$0x5] =	stream.linear.gather @!p1 [hbm4b:s15+s21], $0x2000, $0x38;
	[tilespmem:$0x1FE00] =	vst v63  }
0xce: {  	_ =	swait.ge [sflag:s12], $0x2000  }
0xcf: {  	[sflag:s12] =	ssyncset.done $0x0  }
0xd0: {  	[sflag:s12] =	ssyncadd.s32 $0xFFFFE000  }
0xd1: {  	_ =	swait.ge [sflag:s13], $0x2000  }
0xd2: {  	[sflag:s13] =	ssyncset.done $0x0  }
0xd3: {  	[sflag:s13] =	ssyncadd.s32 $0xFFFFE000  }
0xd4: {  	_ =	swait.ge [sflag:s14], $0x2000  }
0xd5: {  	[sflag:s14] =	ssyncset.done $0x0  }
0xd6: {  	s19 =	simm.s32 $0x0;
	[sflag:s14] =	ssyncadd.s32 $0xFFFFE000  }
0xd7: {  	v13 =	vld [tilespmem:s19+$0x2200]  }
0xd8: {  	v18 =	vld [tilespmem:s19+$0x6200]  }
0xd9: {  	v20 =	vld [tilespmem:s19+$0x2210]  }
0xda: {  	v21 =	vld [tilespmem:s19+$0x6210]  }
0xdb: {  	v6 =	vld [tilespmem:s19+$0x2220]  }
0xdc: {  	v10 =	vld [tilespmem:s19+$0x6220]  }
0xdd: {  	v8 =	vld [tilespmem:s19+$0x2230]  }
0xde: {  	v12 =	vld [tilespmem:s19+$0x6230]  }
0xdf: {  	v9 =	vld [tilespmem:s19+$0x2240]  }
0xe0: {  	v11 =	vld [tilespmem:s19+$0x6240]  }
0xe1: {  	v5 =	vld [tilespmem:s19+$0x2250]  }
0xe2: {  	v7 =	vld [tilespmem:s19+$0x6250]  }
0xe3: {  	v3 =	vld [tilespmem:s19+$0x2260]  }
0xe4: {  	v4 =	vld [tilespmem:s19+$0x6260]  }
0xe5: {  	v1 =	vld [tilespmem:s19+$0x2270]  }
0xe6: {  	v2 =	vld [tilespmem:s19+$0x6270]  }
0xe7: {  	v17 =	vld [tilespmem:s19+$0xA200]  }
0xe8: {  	v16 =	vld [tilespmem:s19+$0xA210]  }
0xe9: {  	v15 =	vld [tilespmem:s19+$0xA220]  }
0xea: {  	v14 =	vld [tilespmem:s19+$0xA230];
	v19 =	vadd.f32 v18, v13  }
0xeb: {  	s20 =	simm.s32 $0x200;
	v18 =	vadd.f32 v21, v20;
	v13 =	vld [tilespmem:s19+$0xA240]  }
.LBB2_7:
0xec: {  	p1 =	sne.s32 s20, $0x7E00;
	v17 =	vadd.f32 v17, v19;
	v6 =	vadd.f32 v10, v6;
	v10 =	vld [tilespmem:s19+$0xA250]  }
0xed: {  	v8 =	vadd.f32 v12, v8;
	v16 =	vadd.f32 v16, v18;
	v12 =	vld [tilespmem:s19+$0xA260]  }
0xee: {  	s15 =	sshra.s32 s20, $0x2;
	v9 =	vadd.f32 v11, v9;
	v17 =	vmax.f32 v17, $0.0e+00;
	v6 =	vadd.f32 v15, v6;
	v11 =	vld [tilespmem:s19+$0xA270]  }
0xef: {  	v5 =	vadd.f32 v7, v5;
	v18 =	vld [tilespmem:s15+$0x2200];
	[tilespmem:s19+$0xA200] =	vst v17;
	v15 =	vmax.f32 v16, $0.0e+00;
	v8 =	vadd.f32 v14, v8  }
0xf0: {  	v3 =	vadd.f32 v4, v3;
	v14 =	vld [tilespmem:s15+$0x6200];
	[tilespmem:s19+$0xA210] =	vst v15;
	v6 =	vmax.f32 v6, $0.0e+00;
	v7 =	vadd.f32 v13, v9  }
0xf1: {  	v1 =	vadd.f32 v2, v1;
	v13 =	vld [tilespmem:s15+$0x2210];
	[tilespmem:s19+$0xA220] =	vst v6;
	v4 =	vmax.f32 v8, $0.0e+00;
	v5 =	vadd.f32 v10, v5  }
0xf2: {  	v20 =	vld [tilespmem:s15+$0x6210];
	[tilespmem:s19+$0xA230] =	vst v4;
	v2 =	vmax.f32 v7, $0.0e+00;
	v3 =	vadd.f32 v12, v3  }
0xf3: {  	v6 =	vld [tilespmem:s15+$0x2220];
	[tilespmem:s19+$0xA240] =	vst v2;
	v2 =	vmax.f32 v5, $0.0e+00;
	v1 =	vadd.f32 v11, v1  }
0xf4: {  	v10 =	vld [tilespmem:s15+$0x6220];
	[tilespmem:s19+$0xA250] =	vst v2;
	v2 =	vmax.f32 v3, $0.0e+00  }
0xf5: {  	v8 =	vld [tilespmem:s15+$0x2230];
	[tilespmem:s19+$0xA260] =	vst v2;
	v1 =	vmax.f32 v1, $0.0e+00  }
0xf6: {  	v12 =	vld [tilespmem:s15+$0x6230];
	[tilespmem:s19+$0xA270] =	vst v1;
	s19 =	smov.u32 s15  }
0xf7: {  	v9 =	vld [tilespmem:s19+$0x2240]  }
0xf8: {  	v11 =	vld [tilespmem:s19+$0x6240]  }
0xf9: {  	v5 =	vld [tilespmem:s19+$0x2250]  }
0xfa: {  	v7 =	vld [tilespmem:s19+$0x6250]  }
0xfb: {  	v3 =	vld [tilespmem:s19+$0x2260]  }
0xfc: {  	v4 =	vld [tilespmem:s19+$0x6260]  }
0xfd: {  	v1 =	vld [tilespmem:s19+$0x2270]  }
0xfe: {  	v2 =	vld [tilespmem:s19+$0x6270]  }
.Ltmp4:
0xff: {  	v17 =	vld [tilespmem:s19+$0xA200];
	(pc) =	sbr.rel @p1 .LBB2_7-.Ltmp4, $4  }
0x100: {  	v16 =	vld [tilespmem:s19+$0xA210]  }
0x101: {  	v15 =	vld [tilespmem:s19+$0xA220]  }
0x102: {  	v19 =	vadd.f32 v14, v18;
	v14 =	vld [tilespmem:s19+$0xA230]  }
0x103: {  	s20 =	sadd.s32 $0x200, s20;
	v18 =	vadd.f32 v20, v13;
	v13 =	vld [tilespmem:s19+$0xA240]  }
0x104: {  	v17 =	vadd.f32 v17, v19;
	v6 =	vadd.f32 v10, v6;
	v58 =	vld [tilespmem:s19+$0xA250]  }
0x105: {  	v8 =	vadd.f32 v12, v8;
	v60 =	vld [tilespmem:s19+$0xA270];
	v16 =	vadd.f32 v16, v18  }
0x106: {  	v59 =	vld [tilespmem:s19+$0xA260];
	v9 =	vadd.f32 v11, v9;
	v17 =	vmax.f32 v17, $0.0e+00;
	v6 =	vadd.f32 v15, v6  }
0x107: {  	v5 =	vadd.f32 v7, v5;
	[tilespmem:s19+$0xA200] =	vst v17;
	v61 =	vmax.f32 v16, $0.0e+00;
	v8 =	vadd.f32 v14, v8  }
0x108: {  	v1 =	vadd.f32 v2, v1;
	[tilespmem:s19+$0xA210] =	vst v61;
	v6 =	vmax.f32 v6, $0.0e+00;
	v62 =	vadd.f32 v13, v9  }
0x109: {  	v3 =	vadd.f32 v4, v3;
	s18 =	sadd.s32 $0x1, s18;
	[tilespmem:s19+$0xA220] =	vst v6;
	v63 =	vmax.f32 v8, $0.0e+00;
	v5 =	vadd.f32 v58, v5  }
0x10a: {  	p1 =	sne.s32 s18, $0x4E;
	v1 =	vadd.f32 v60, v1;
	[tilespmem:s19+$0xA230] =	vst v63;
	v2 =	vmax.f32 v62, $0.0e+00  }
.Ltmp5:
0x10b: {  	v3 =	vadd.f32 v59, v3;
	[tilespmem:s19+$0xA240] =	vst v2;
	v2 =	vmax.f32 v5, $0.0e+00;
	(pc) =	sbr.rel @p1 .LBB2_4-.Ltmp5, $4  }
0x10c: {  	v1 =	vmax.f32 v1, $0.0e+00;
	[tilespmem:s19+$0xA250] =	vst v2  }
0x10d: {  	v2 =	vmax.f32 v3, $0.0e+00;
	[tilespmem:s19+$0xA270] =	vst v1  }
0x10e: {  	[tilespmem:s19+$0xA260] =	vst v2  }
0x10f: {  	[spmem:s1] =	stream.indirect.scatter.add.f32 [tilespmem:s29], [sflag:$0x8], $0x80, s0, s25, $0xb8;
	[tilespmem:$0x1FE00] =	vst v63  }
.Ltmp6:
0x110: {  	(pc) =	sbr.rel @p0 .LBB2_13-.Ltmp6, $1  }
0x111: {  	_ =	sdelay $0x3  }
0x112: {  	_ =	swait.ge [sflag:s2], $0x2000  }
0x113: {  	[sflag:s2] =	ssyncset.done $0x0  }
0x114: {  	[sflag:s2] =	ssyncadd.s32 $0xFFFFE000  }
0x115: {  	_ =	swait.ge [sflag:s10], $0x2000  }
0x116: {  	[sflag:s10] =	ssyncset.done $0x0  }
0x117: {  	[sflag:s10] =	ssyncadd.s32 $0xFFFFE000  }
0x118: {  	_ =	swait.ge [sflag:s11], $0x2000  }
0x119: {  	[sflag:s11] =	ssyncset.done $0x0  }
0x11a: {  	s17 =	simm.s32 $0x0;
	[sflag:s11] =	ssyncadd.s32 $0xFFFFE000  }
0x11b: {  	v13 =	vld [tilespmem:s17+$0x200]  }
0x11c: {  	v18 =	vld [tilespmem:s17+$0x4200]  }
0x11d: {  	v20 =	vld [tilespmem:s17+$0x210]  }
0x11e: {  	v21 =	vld [tilespmem:s17+$0x4210]  }
0x11f: {  	v6 =	vld [tilespmem:s17+$0x220]  }
0x120: {  	v10 =	vld [tilespmem:s17+$0x4220]  }
0x121: {  	v8 =	vld [tilespmem:s17+$0x230]  }
0x122: {  	v12 =	vld [tilespmem:s17+$0x4230]  }
0x123: {  	v9 =	vld [tilespmem:s17+$0x240]  }
0x124: {  	v11 =	vld [tilespmem:s17+$0x4240]  }
0x125: {  	v5 =	vld [tilespmem:s17+$0x250]  }
0x126: {  	v7 =	vld [tilespmem:s17+$0x4250]  }
0x127: {  	v3 =	vld [tilespmem:s17+$0x260]  }
0x128: {  	v4 =	vld [tilespmem:s17+$0x4260]  }
0x129: {  	v1 =	vld [tilespmem:s17+$0x270]  }
0x12a: {  	v2 =	vld [tilespmem:s17+$0x4270]  }
0x12b: {  	v17 =	vld [tilespmem:s17+$0x8200]  }
0x12c: {  	v16 =	vld [tilespmem:s17+$0x8210]  }
0x12d: {  	v15 =	vld [tilespmem:s17+$0x8220]  }
0x12e: {  	v14 =	vld [tilespmem:s17+$0x8230];
	v19 =	vadd.f32 v18, v13  }
0x12f: {  	s18 =	simm.s32 $0x200;
	v18 =	vadd.f32 v21, v20;
	v13 =	vld [tilespmem:s17+$0x8240]  }
.LBB2_11:
0x130: {  	p1 =	sne.s32 s18, $0x7E00;
	v17 =	vadd.f32 v17, v19;
	v6 =	vadd.f32 v10, v6;
	v10 =	vld [tilespmem:s17+$0x8250]  }
0x131: {  	v8 =	vadd.f32 v12, v8;
	v16 =	vadd.f32 v16, v18;
	v12 =	vld [tilespmem:s17+$0x8260]  }
0x132: {  	s15 =	sshra.s32 s18, $0x2;
	v9 =	vadd.f32 v11, v9;
	v17 =	vmax.f32 v17, $0.0e+00;
	v6 =	vadd.f32 v15, v6;
	v11 =	vld [tilespmem:s17+$0x8270]  }
0x133: {  	v5 =	vadd.f32 v7, v5;
	v18 =	vld [tilespmem:s15+$0x200];
	[tilespmem:s17+$0x8200] =	vst v17;
	v15 =	vmax.f32 v16, $0.0e+00;
	v8 =	vadd.f32 v14, v8  }
0x134: {  	v3 =	vadd.f32 v4, v3;
	v14 =	vld [tilespmem:s15+$0x4200];
	[tilespmem:s17+$0x8210] =	vst v15;
	v6 =	vmax.f32 v6, $0.0e+00;
	v7 =	vadd.f32 v13, v9  }
0x135: {  	v1 =	vadd.f32 v2, v1;
	v13 =	vld [tilespmem:s15+$0x210];
	[tilespmem:s17+$0x8220] =	vst v6;
	v4 =	vmax.f32 v8, $0.0e+00;
	v5 =	vadd.f32 v10, v5  }
0x136: {  	v20 =	vld [tilespmem:s15+$0x4210];
	[tilespmem:s17+$0x8230] =	vst v4;
	v2 =	vmax.f32 v7, $0.0e+00;
	v3 =	vadd.f32 v12, v3  }
0x137: {  	v6 =	vld [tilespmem:s15+$0x220];
	[tilespmem:s17+$0x8240] =	vst v2;
	v2 =	vmax.f32 v5, $0.0e+00;
	v1 =	vadd.f32 v11, v1  }
0x138: {  	v10 =	vld [tilespmem:s15+$0x4220];
	[tilespmem:s17+$0x8250] =	vst v2;
	v2 =	vmax.f32 v3, $0.0e+00  }
0x139: {  	v8 =	vld [tilespmem:s15+$0x230];
	[tilespmem:s17+$0x8260] =	vst v2;
	v1 =	vmax.f32 v1, $0.0e+00  }
0x13a: {  	v12 =	vld [tilespmem:s15+$0x4230];
	[tilespmem:s17+$0x8270] =	vst v1;
	s17 =	smov.u32 s15  }
0x13b: {  	v9 =	vld [tilespmem:s17+$0x240]  }
0x13c: {  	v11 =	vld [tilespmem:s17+$0x4240]  }
0x13d: {  	v5 =	vld [tilespmem:s17+$0x250]  }
0x13e: {  	v7 =	vld [tilespmem:s17+$0x4250]  }
0x13f: {  	v3 =	vld [tilespmem:s17+$0x260]  }
0x140: {  	v4 =	vld [tilespmem:s17+$0x4260]  }
0x141: {  	v1 =	vld [tilespmem:s17+$0x270]  }
0x142: {  	v2 =	vld [tilespmem:s17+$0x4270]  }
.Ltmp7:
0x143: {  	v17 =	vld [tilespmem:s17+$0x8200];
	(pc) =	sbr.rel @p1 .LBB2_11-.Ltmp7, $4  }
0x144: {  	v16 =	vld [tilespmem:s17+$0x8210]  }
0x145: {  	v15 =	vld [tilespmem:s17+$0x8220]  }
0x146: {  	v19 =	vadd.f32 v14, v18;
	v14 =	vld [tilespmem:s17+$0x8230]  }
0x147: {  	s18 =	sadd.s32 $0x200, s18;
	v18 =	vadd.f32 v20, v13;
	v13 =	vld [tilespmem:s17+$0x8240]  }
0x148: {  	v17 =	vadd.f32 v17, v19;
	v6 =	vadd.f32 v10, v6;
	v58 =	vld [tilespmem:s17+$0x8250]  }
0x149: {  	v8 =	vadd.f32 v12, v8;
	v60 =	vld [tilespmem:s17+$0x8270];
	v16 =	vadd.f32 v16, v18  }
0x14a: {  	v59 =	vld [tilespmem:s17+$0x8260];
	v9 =	vadd.f32 v11, v9;
	v17 =	vmax.f32 v17, $0.0e+00;
	v6 =	vadd.f32 v15, v6  }
0x14b: {  	v5 =	vadd.f32 v7, v5;
	[tilespmem:s17+$0x8200] =	vst v17;
	v61 =	vmax.f32 v16, $0.0e+00;
	v8 =	vadd.f32 v14, v8  }
0x14c: {  	v1 =	vadd.f32 v2, v1;
	[tilespmem:s17+$0x8210] =	vst v61;
	v6 =	vmax.f32 v6, $0.0e+00;
	v62 =	vadd.f32 v13, v9  }
0x14d: {  	v3 =	vadd.f32 v4, v3;
	[tilespmem:s17+$0x8220] =	vst v6;
	v63 =	vmax.f32 v8, $0.0e+00;
	v5 =	vadd.f32 v58, v5  }
0x14e: {  	v1 =	vadd.f32 v60, v1;
	[tilespmem:s17+$0x8230] =	vst v63;
	v2 =	vmax.f32 v62, $0.0e+00  }
.Ltmp8:
0x14f: {  	v3 =	vadd.f32 v59, v3;
	[tilespmem:s17+$0x8240] =	vst v2;
	v2 =	vmax.f32 v5, $0.0e+00;
	(pc) =	sbr.rel .LBB2_13-.Ltmp8, $4  }
0x150: {  	v1 =	vmax.f32 v1, $0.0e+00;
	[tilespmem:s17+$0x8250] =	vst v2  }
0x151: {  	v2 =	vmax.f32 v3, $0.0e+00;
	[tilespmem:s17+$0x8270] =	vst v1  }
0x152: {  	[tilespmem:s17+$0x8260] =	vst v2  }
0x153: {  	[spmem:s1] =	stream.indirect.scatter.add.f32 [tilespmem:s23], [sflag:$0x7], $0x80, s28, s25, $0xb8;
	[tilespmem:$0x1FE00] =	vst v63  }
.LBB2_14:
0x154: {  	_ =	sfence.sel $0x180000  }
0x155: {  	[bflag:$0x0] =	sbarrier.arrive $0xFFFF  }
0x156: {  	_ =	strace $0x90000047  }
0x157: {  	s0 =	stileid.u32;
	[bflag:$0x2] =	sbarrier.arrive $0xFFFF  }
0x158: {  	p0 =	sne.s32 s0, $0x0;
	s0 =	rddreg [dreg:$0x2]  }
0x159: {  	s0 =	sadd.s32 @!p0 $0x100000, s0  }
0x15a: {  	[sflag:s0] =	ssyncadd.tile.s32 @!p0 $0x1;
	_ =	shalt  }
.Lfunc_end2:
_tile_overlayer_lowered:
.L_overlay_start_2:
0x15b: {  	(tag) =	ssettag $0x2  }
0x15c: {  	s0 =	rddreg [dreg:$0x0];
	s2 =	stileid.u32  }
0x15d: {  	s1 =	rddreg [dreg:$0x1];
	p0 =	sne.s32 s2, $0x0  }
0x15e: {  	s3 =	rddreg [dreg:$0x2];
	[bflag:$0x3] =	sbarrier.arrive $0xFFFF;
	s2 =	simm.s32 @!p0 $0x1C09  }
0x15f: {  	[timem:s3], [sflag:s2] =	dma.local @!p0 [hbm:s0], s1  }
0x160: {  	s0 =	simm.s32 @!p0 $0x9  }
0x161: {  	_ =	swait.ge @!p0 [sflag:s0], s1  }
0x162: {  	s1 =	ssub.s32 @!p0 $0x0, s1;
	[sflag:s0] =	ssyncset.done @!p0 $0x0  }
0x163: {  	[sflag:s0] =	ssyncadd.s32 @!p0 s1  }
0x164: {  	[bflag:$0x3] =	sbarrier.arrive $0xFFFF  }
0x165: {  	_ =	shalt  }

</sc_bundles>
